<compile_context>
chip_gen: v7x
topology: tpu7x:2x2x1
jax: 0.10.2.dev20260603
libtpu: 0.0.44.dev20260713+nightly
codegen_flags: <defaults>
</compile_context>

<pallas_src>
import functools

import jax
import jax.numpy as jnp
from jax import lax
from jax.experimental import pallas as pl
from jax.experimental.pallas import tpu as pltpu
from jax.experimental.pallas import tpu_sc as plsc

_NODE_NUM = 100000
_N_UPD = 1600000

_NC = 2
_NS = 16
_NW = _NC * _NS

_LANE = 128
_NROWS = _N_UPD // _LANE
_ROWS_B = 384
_BIG = 26
_TAIL = _NROWS - (_ROWS_B * _NW + 8 * _BIG)
_TAIL_BASE = _NROWS - _TAIL
_RMAX = _ROWS_B + 8 + _TAIL

_NPAD = 100352
_SLICE = _NPAD // _NS
_PIPE = 4


def _scatter_body(idx_hbm, val_hbm, sums_hbm, counts_hbm,
                  idx_v, val_v, tmp_v, ones_v, sums_sh, counts_sh,
                  sem_a, sem_b, sem_c, sem_d):
  c = lax.axis_index("c")
  s = lax.axis_index("s")
  w = c * _NS + s

  base = pl.multiple_of(w * _ROWS_B + 8 * jnp.minimum(w, _BIG), 8)
  pltpu.async_copy(idx_hbm.at[pl.ds(base, _ROWS_B)],
                   idx_v.at[pl.ds(0, _ROWS_B)], sem_a)
  pltpu.async_copy(val_hbm.at[pl.ds(base, _ROWS_B)],
                   val_v.at[pl.ds(0, _ROWS_B)], sem_a)

  @pl.when(w < _BIG)
  def _():
    off = pl.multiple_of(base + _ROWS_B, 8)
    pltpu.async_copy(idx_hbm.at[pl.ds(off, 8)], idx_v.at[pl.ds(_ROWS_B, 8)],
                     sem_b)
    pltpu.async_copy(val_hbm.at[pl.ds(off, 8)], val_v.at[pl.ds(_ROWS_B, 8)],
                     sem_b)

  @pl.when(w == 0)
  def _():
    pltpu.async_copy(idx_hbm.at[pl.ds(_TAIL_BASE, _TAIL)],
                     idx_v.at[pl.ds(_ROWS_B + 8, _TAIL)], sem_b)
    pltpu.async_copy(val_hbm.at[pl.ds(_TAIL_BASE, _TAIL)],
                     val_v.at[pl.ds(_ROWS_B + 8, _TAIL)], sem_b)

  def _zero(i, carry):
    for u in range(8):
      tmp_v[pl.ds(i * 128 + u * 16, 16)] = jnp.zeros((16,), jnp.float32)
    return carry
  lax.fori_loop(0, _SLICE // 128, _zero, 0)
  za = pltpu.async_copy(tmp_v, sums_sh.at[pl.ds(s * _SLICE, _SLICE)], sem_c)
  zb = pltpu.async_copy(tmp_v, counts_sh.at[pl.ds(s * _SLICE, _SLICE)], sem_d)
  za.wait()
  zb.wait()

  for i in range(_LANE // 16):
    ones_v[pl.ds(i * 16, 16)] = jnp.ones((16,), jnp.float32)

  nrows = (_ROWS_B + 8 * jnp.where(w < _BIG, 1, 0)
           + _TAIL * jnp.where(w == 0, 1, 0))

  pltpu.make_async_copy(idx_hbm.at[pl.ds(0, _ROWS_B)],
                        idx_v.at[pl.ds(0, _ROWS_B)], sem_a).wait()
  pltpu.make_async_copy(val_hbm.at[pl.ds(0, _ROWS_B)],
                        val_v.at[pl.ds(0, _ROWS_B)], sem_a).wait()

  @pl.when(w < _BIG)
  def _():
    pltpu.make_async_copy(idx_hbm.at[pl.ds(0, 8)],
                          idx_v.at[pl.ds(_ROWS_B, 8)], sem_b).wait()
    pltpu.make_async_copy(val_hbm.at[pl.ds(0, 8)],
                          val_v.at[pl.ds(_ROWS_B, 8)], sem_b).wait()

  @pl.when(w == 0)
  def _():
    pltpu.make_async_copy(idx_hbm.at[pl.ds(0, _TAIL)],
                          idx_v.at[pl.ds(_ROWS_B + 8, _TAIL)], sem_b).wait()
    pltpu.make_async_copy(val_hbm.at[pl.ds(0, _TAIL)],
                          val_v.at[pl.ds(_ROWS_B + 8, _TAIL)], sem_b).wait()

  plsc.subcore_barrier()

  def _fire(k):
    j = 2 * k
    pltpu.async_copy(val_v.at[j], sums_sh.at[idx_v.at[j]], sem_a, add=True)
    pltpu.async_copy(ones_v, counts_sh.at[idx_v.at[j]], sem_b, add=True)
    pltpu.async_copy(val_v.at[j + 1], sums_sh.at[idx_v.at[j + 1]], sem_c,
                     add=True)
    pltpu.async_copy(ones_v, counts_sh.at[idx_v.at[j + 1]], sem_d, add=True)

  def _drain_pair():
    for sem in (sem_a, sem_c):
      pltpu.make_async_copy(val_v.at[0], sums_sh.at[pl.ds(0, _LANE)],
                            sem).wait()
    for sem in (sem_b, sem_d):
      pltpu.make_async_copy(ones_v, counts_sh.at[pl.ds(0, _LANE)],
                            sem).wait()

  def _prime(k, carry):
    _fire(k)
    return carry
  lax.fori_loop(0, _PIPE, _prime, 0)

  def _steady(k, carry):
    _fire(k)
    _drain_pair()
    return carry
  lax.fori_loop(_PIPE, nrows // 2, _steady, 0)

  def _tail(i, carry):
    _drain_pair()
    return carry
  lax.fori_loop(0, _PIPE, _tail, 0)

  plsc.subcore_barrier()

  obase = c * _NPAD + s * _SLICE
  oa = pltpu.async_copy(sums_sh.at[pl.ds(s * _SLICE, _SLICE)],
                        sums_hbm.at[pl.ds(obase, _SLICE)], sem_a)
  ob = pltpu.async_copy(counts_sh.at[pl.ds(s * _SLICE, _SLICE)],
                        counts_hbm.at[pl.ds(obase, _SLICE)], sem_b)
  oa.wait()
  ob.wait()


_scatter_kernel = functools.partial(
    pl.kernel,
    out_type=(jax.ShapeDtypeStruct((_NC * _NPAD,), jnp.float32),
              jax.ShapeDtypeStruct((_NC * _NPAD,), jnp.float32)),
    mesh=plsc.VectorSubcoreMesh(core_axis_name="c", subcore_axis_name="s",
                                num_cores=_NC, num_subcores=_NS),
    scratch_types=(
        pltpu.VMEM((_RMAX, _LANE), jnp.int32),
        pltpu.VMEM((_RMAX, _LANE), jnp.float32),
        pltpu.VMEM((_SLICE,), jnp.float32),
        pltpu.VMEM((_LANE,), jnp.float32),
        pltpu.VMEM_SHARED((_NPAD,), jnp.float32),
        pltpu.VMEM_SHARED((_NPAD,), jnp.float32),
        pltpu.SemaphoreType.DMA,
        pltpu.SemaphoreType.DMA,
        pltpu.SemaphoreType.DMA,
        pltpu.SemaphoreType.DMA,
    ),
)(_scatter_body)


def _combine_body(state_ref, s_ref, c_ref, o_ref):
  sums = s_ref[pl.ds(0, _NODE_NUM)] + s_ref[pl.ds(_NPAD, _NODE_NUM)]
  counts = c_ref[pl.ds(0, _NODE_NUM)] + c_ref[pl.ds(_NPAD, _NODE_NUM)]
  o_ref[...] = state_ref[...] + sums / jnp.maximum(counts, 1.0)


def _combine(state, sums, counts):
  return pl.pallas_call(
      _combine_body,
      out_shape=jax.ShapeDtypeStruct((_NODE_NUM,), jnp.float32),
  )(state, sums, counts)


def kernel(node_errors_state, node_errors, node_indices):
  idx2d = node_indices.reshape(_NROWS, _LANE)
  val2d = node_errors.reshape(_NROWS, _LANE)
  sums, counts = _scatter_kernel(idx2d, val2d)
  return _combine(node_errors_state, sums, counts)

# --- scband reference (transcript-rebuilt; emitter-appended) ---
"""Pipeline reference for scband-dynamic-graph-16587163697591 (READ-ONLY COPY).

The authoritative reference and input builder live on the scoring server;
editing this copy changes nothing except your own understanding.
"""

import jax, jax.numpy as jnp
import numpy as np

NODE_NUM = 100000
N_UPDATES = 1600000


def scatter_mean(values, index, dim_size):
    # torch_scatter.scatter_mean equivalent: segment-sum / segment-count
    sums = jax.ops.segment_sum(values, index, num_segments=dim_size)
    counts = jax.ops.segment_sum(jnp.ones_like(values), index, num_segments=dim_size)
    return sums / jnp.maximum(counts, 1.0)


def setup_inputs(seed: int = 0) -> dict:
    key = jax.random.key(seed)
    k1, k2, k3 = jax.random.split(key, 3)
    node_indices = jax.random.randint(k1, (N_UPDATES,), 0, NODE_NUM, dtype=jnp.int32)
    node_errors = jax.random.normal(k2, (N_UPDATES,), dtype=jnp.float32)
    # persistent module state: per-node error memory (initial_node_errors = 0.0)
    node_errors_state = jnp.zeros((NODE_NUM,), dtype=jnp.float32)
    return {
        "node_errors_state": node_errors_state,
        "node_errors": node_errors,
        "node_indices": node_indices,
    }


def reference(node_errors_state, node_errors, node_indices):
    # DynamicGraph.update_node_errors(node_indices, node_errors, operation='add')
    updated_errors = scatter_mean(node_errors, node_indices, NODE_NUM)
    new_state = node_errors_state + updated_errors
    return new_state

if __name__ == "__main__":
    import jax
    _d = setup_inputs()
    print(jax.jit(kernel)(*tuple(_d.values())))

</pallas_src>

<mosaic_0001>
#map = affine_map<(d0, d1) -> (0, 0)>
#map1 = affine_map<(d0, d1) -> (0)>
module attributes {stable_mosaic.version = 14 : i64} {
  func.func @_scatter_body(%arg0: i32, %arg1: i32, %arg2: memref<12500x128xi32, #tpu.memory_space<hbm>>, %arg3: memref<12500x128xf32, #tpu.memory_space<hbm>>, %arg4: memref<200704xf32, #tpu.memory_space<hbm>>, %arg5: memref<200704xf32, #tpu.memory_space<hbm>>, %arg6: memref<396x128xi32, #tpu.memory_space<vmem>>, %arg7: memref<396x128xf32, #tpu.memory_space<vmem>>, %arg8: memref<6272xf32, #tpu.memory_space<vmem>>, %arg9: memref<128xf32, #tpu.memory_space<vmem>>, %arg10: memref<100352xf32, #tpu.memory_space<vmem_shared>>, %arg11: memref<100352xf32, #tpu.memory_space<vmem_shared>>, %arg12: memref<!tpu.dma_semaphore, #tpu.memory_space<semaphore_mem>>, %arg13: memref<!tpu.dma_semaphore, #tpu.memory_space<semaphore_mem>>, %arg14: memref<!tpu.dma_semaphore, #tpu.memory_space<semaphore_mem>>, %arg15: memref<!tpu.dma_semaphore, #tpu.memory_space<semaphore_mem>>) attributes {dimension_semantics = [#tpu.dimension_semantics<core_parallel>, #tpu.dimension_semantics<subcore_parallel>], iteration_bounds = array<i64: 2, 16>, scalar_prefetch = 0 : i64, scratch_operands = 10 : i64, tpu.core_type = #tpu.core_type<sc_vector_subcore>, window_params = [{transform_indices = #map}, {transform_indices = #map}, {transform_indices = #map1}, {transform_indices = #map1}]} {
    %mul3A = arith.constant 16 : i32
    %mul3A_0 = arith.muli %arg0, %mul3A : i32
    %add3A = arith.addi %mul3A_0, %arg1 : i32
    %mul3A_1 = arith.constant 384 : i32
    %mul3A_2 = arith.muli %add3A, %mul3A_1 : i32
    %min3A = arith.constant 26 : i32
    %min3A_3 = arith.minsi %add3A, %min3A : i32
    %mul3A_4 = arith.constant 8 : i32
    %mul3A_5 = arith.muli %mul3A_4, %min3A_3 : i32
    %add3A_6 = arith.addi %mul3A_2, %mul3A_5 : i32
    %multiple_of3A = tpu.assume_multiple %add3A_6, 8 : i32
    %dma_start3A = arith.constant 0 : i32
    %dma_start3A_7 = arith.constant 0 : i32
    %dma_start3A_8 = tpu.memref_slice %arg6[%dma_start3A, %dma_start3A_7] : memref<396x128xi32, #tpu.memory_space<vmem>> -> memref<384x128xi32, #tpu.memory_space<vmem>>
    %dma_start3A_9 = arith.constant 0 : i32
    %dma_start3A_10 = tpu.memref_slice %arg2[%multiple_of3A, %dma_start3A_9] : memref<12500x128xi32, #tpu.memory_space<hbm>> -> memref<384x128xi32, #tpu.memory_space<hbm>>
    %dma_start3A_11 = arith.constant 0 : i32
    %dma_start3A_12 = arith.constant 0 : i32
    %dma_start3A_13 = tpu.memref_slice %arg6[%dma_start3A_11, %dma_start3A_12] : memref<396x128xi32, #tpu.memory_space<vmem>> -> memref<384x128xi32, #tpu.memory_space<vmem>>
    %dma_start3A_14 = arith.constant 0 : i32
    %dma_start3A_15 = tpu.memref_slice %arg2[%multiple_of3A, %dma_start3A_14] : memref<12500x128xi32, #tpu.memory_space<hbm>> -> memref<384x128xi32, #tpu.memory_space<hbm>>
    tpu.enqueue_dma source(%dma_start3A_15 : memref<384x128xi32, #tpu.memory_space<hbm>>) target(%dma_start3A_13 : memref<384x128xi32, #tpu.memory_space<vmem>>) target_semaphore(%arg12 : memref<!tpu.dma_semaphore, #tpu.memory_space<semaphore_mem>>)
    %dma_start3A_16 = arith.constant 0 : i32
    %dma_start3A_17 = arith.constant 0 : i32
    %dma_start3A_18 = tpu.memref_slice %arg7[%dma_start3A_16, %dma_start3A_17] : memref<396x128xf32, #tpu.memory_space<vmem>> -> memref<384x128xf32, #tpu.memory_space<vmem>>
    %dma_start3A_19 = arith.constant 0 : i32
    %dma_start3A_20 = tpu.memref_slice %arg3[%multiple_of3A, %dma_start3A_19] : memref<12500x128xf32, #tpu.memory_space<hbm>> -> memref<384x128xf32, #tpu.memory_space<hbm>>
    %dma_start3A_21 = arith.constant 0 : i32
    %dma_start3A_22 = arith.constant 0 : i32
    %dma_start3A_23 = tpu.memref_slice %arg7[%dma_start3A_21, %dma_start3A_22] : memref<396x128xf32, #tpu.memory_space<vmem>> -> memref<384x128xf32, #tpu.memory_space<vmem>>
    %dma_start3A_24 = arith.constant 0 : i32
    %dma_start3A_25 = tpu.memref_slice %arg3[%multiple_of3A, %dma_start3A_24] : memref<12500x128xf32, #tpu.memory_space<hbm>> -> memref<384x128xf32, #tpu.memory_space<hbm>>
    tpu.enqueue_dma source(%dma_start3A_25 : memref<384x128xf32, #tpu.memory_space<hbm>>) target(%dma_start3A_23 : memref<384x128xf32, #tpu.memory_space<vmem>>) target_semaphore(%arg12 : memref<!tpu.dma_semaphore, #tpu.memory_space<semaphore_mem>>)
    %lt3A = arith.constant 26 : i32
    %lt3A_26 = arith.cmpi slt, %add3A, %lt3A : i32
    %convert_element_type3A = arith.extui %lt3A_26 : i1 to i32
    %cond3A = arith.constant 0 : i32
    %cond3A_27 = arith.cmpi ne, %convert_element_type3A, %cond3A : i32
    scf.if %cond3A_27 {
      %add3A_200 = arith.constant 384 : i32
      %add3A_201 = arith.addi %multiple_of3A, %add3A_200 : i32
      %multiple_of3A_202 = tpu.assume_multiple %add3A_201, 8 : i32
      %dma_start3A_203 = arith.constant 384 : i32
      %dma_start3A_204 = arith.constant 0 : i32
      %dma_start3A_205 = tpu.memref_slice %arg6[%dma_start3A_203, %dma_start3A_204] : memref<396x128xi32, #tpu.memory_space<vmem>> -> memref<8x128xi32, #tpu.memory_space<vmem>>
      %dma_start3A_206 = arith.constant 0 : i32
      %dma_start3A_207 = tpu.memref_slice %arg2[%multiple_of3A_202, %dma_start3A_206] : memref<12500x128xi32, #tpu.memory_space<hbm>> -> memref<8x128xi32, #tpu.memory_space<hbm>>
      %dma_start3A_208 = arith.constant 384 : i32
      %dma_start3A_209 = arith.constant 0 : i32
      %dma_start3A_210 = tpu.memref_slice %arg6[%dma_start3A_208, %dma_start3A_209] : memref<396x128xi32, #tpu.memory_space<vmem>> -> memref<8x128xi32, #tpu.memory_space<vmem>>
      %dma_start3A_211 = arith.constant 0 : i32
      %dma_start3A_212 = tpu.memref_slice %arg2[%multiple_of3A_202, %dma_start3A_211] : memref<12500x128xi32, #tpu.memory_space<hbm>> -> memref<8x128xi32, #tpu.memory_space<hbm>>
      tpu.enqueue_dma source(%dma_start3A_212 : memref<8x128xi32, #tpu.memory_space<hbm>>) target(%dma_start3A_210 : memref<8x128xi32, #tpu.memory_space<vmem>>) target_semaphore(%arg13 : memref<!tpu.dma_semaphore, #tpu.memory_space<semaphore_mem>>)
      %dma_start3A_213 = arith.constant 384 : i32
      %dma_start3A_214 = arith.constant 0 : i32
      %dma_start3A_215 = tpu.memref_slice %arg7[%dma_start3A_213, %dma_start3A_214] : memref<396x128xf32, #tpu.memory_space<vmem>> -> memref<8x128xf32, #tpu.memory_space<vmem>>
      %dma_start3A_216 = arith.constant 0 : i32
      %dma_start3A_217 = tpu.memref_slice %arg3[%multiple_of3A_202, %dma_start3A_216] : memref<12500x128xf32, #tpu.memory_space<hbm>> -> memref<8x128xf32, #tpu.memory_space<hbm>>
      %dma_start3A_218 = arith.constant 384 : i32
      %dma_start3A_219 = arith.constant 0 : i32
      %dma_start3A_220 = tpu.memref_slice %arg7[%dma_start3A_218, %dma_start3A_219] : memref<396x128xf32, #tpu.memory_space<vmem>> -> memref<8x128xf32, #tpu.memory_space<vmem>>
      %dma_start3A_221 = arith.constant 0 : i32
      %dma_start3A_222 = tpu.memref_slice %arg3[%multiple_of3A_202, %dma_start3A_221] : memref<12500x128xf32, #tpu.memory_space<hbm>> -> memref<8x128xf32, #tpu.memory_space<hbm>>
      tpu.enqueue_dma source(%dma_start3A_222 : memref<8x128xf32, #tpu.memory_space<hbm>>) target(%dma_start3A_220 : memref<8x128xf32, #tpu.memory_space<vmem>>) target_semaphore(%arg13 : memref<!tpu.dma_semaphore, #tpu.memory_space<semaphore_mem>>)
    } else {
    }
    %eq3A = arith.constant 0 : i32
    %eq3A_28 = arith.cmpi eq, %add3A, %eq3A : i32
    %convert_element_type3A_29 = arith.extui %eq3A_28 : i1 to i32
    %cond3A_30 = arith.constant 0 : i32
    %cond3A_31 = arith.cmpi ne, %convert_element_type3A_29, %cond3A_30 : i32
    scf.if %cond3A_31 {
      %dma_start3A_200 = arith.constant 392 : i32
      %dma_start3A_201 = arith.constant 0 : i32
      %dma_start3A_202 = tpu.memref_slice %arg6[%dma_start3A_200, %dma_start3A_201] : memref<396x128xi32, #tpu.memory_space<vmem>> -> memref<4x128xi32, #tpu.memory_space<vmem>>
      %dma_start3A_203 = arith.constant 12496 : i32
      %dma_start3A_204 = arith.constant 0 : i32
      %dma_start3A_205 = tpu.memref_slice %arg2[%dma_start3A_203, %dma_start3A_204] : memref<12500x128xi32, #tpu.memory_space<hbm>> -> memref<4x128xi32, #tpu.memory_space<hbm>>
      %dma_start3A_206 = arith.constant 392 : i32
      %dma_start3A_207 = arith.constant 0 : i32
      %dma_start3A_208 = tpu.memref_slice %arg6[%dma_start3A_206, %dma_start3A_207] : memref<396x128xi32, #tpu.memory_space<vmem>> -> memref<4x128xi32, #tpu.memory_space<vmem>>
      %dma_start3A_209 = arith.constant 12496 : i32
      %dma_start3A_210 = arith.constant 0 : i32
      %dma_start3A_211 = tpu.memref_slice %arg2[%dma_start3A_209, %dma_start3A_210] : memref<12500x128xi32, #tpu.memory_space<hbm>> -> memref<4x128xi32, #tpu.memory_space<hbm>>
      tpu.enqueue_dma source(%dma_start3A_211 : memref<4x128xi32, #tpu.memory_space<hbm>>) target(%dma_start3A_208 : memref<4x128xi32, #tpu.memory_space<vmem>>) target_semaphore(%arg13 : memref<!tpu.dma_semaphore, #tpu.memory_space<semaphore_mem>>)
      %dma_start3A_212 = arith.constant 392 : i32
      %dma_start3A_213 = arith.constant 0 : i32
      %dma_start3A_214 = tpu.memref_slice %arg7[%dma_start3A_212, %dma_start3A_213] : memref<396x128xf32, #tpu.memory_space<vmem>> -> memref<4x128xf32, #tpu.memory_space<vmem>>
      %dma_start3A_215 = arith.constant 12496 : i32
      %dma_start3A_216 = arith.constant 0 : i32
      %dma_start3A_217 = tpu.memref_slice %arg3[%dma_start3A_215, %dma_start3A_216] : memref<12500x128xf32, #tpu.memory_space<hbm>> -> memref<4x128xf32, #tpu.memory_space<hbm>>
      %dma_start3A_218 = arith.constant 392 : i32
      %dma_start3A_219 = arith.constant 0 : i32
      %dma_start3A_220 = tpu.memref_slice %arg7[%dma_start3A_218, %dma_start3A_219] : memref<396x128xf32, #tpu.memory_space<vmem>> -> memref<4x128xf32, #tpu.memory_space<vmem>>
      %dma_start3A_221 = arith.constant 12496 : i32
      %dma_start3A_222 = arith.constant 0 : i32
      %dma_start3A_223 = tpu.memref_slice %arg3[%dma_start3A_221, %dma_start3A_222] : memref<12500x128xf32, #tpu.memory_space<hbm>> -> memref<4x128xf32, #tpu.memory_space<hbm>>
      tpu.enqueue_dma source(%dma_start3A_223 : memref<4x128xf32, #tpu.memory_space<hbm>>) target(%dma_start3A_220 : memref<4x128xf32, #tpu.memory_space<vmem>>) target_semaphore(%arg13 : memref<!tpu.dma_semaphore, #tpu.memory_space<semaphore_mem>>)
    } else {
    }
    %scan3A = arith.constant 0 : i32
    %scan3A_32 = arith.constant 0 : i32
    %scan3A_33 = arith.constant 49 : i32
    %scan3A_34 = arith.addi %scan3A_32, %scan3A_33 : i32
    %scan3A_35 = arith.constant 1 : i32
    scf.for %scan3A_200 = %scan3A_32 to %scan3A_34 step %scan3A_35  : i32 {
      %broadcast_in_dim3A_201 = arith.constant 0.000000e+00 : f32
      %broadcast_in_dim3A_202 = vector.broadcast %broadcast_in_dim3A_201 : f32 to vector<16xf32>
      %mul3A_203 = arith.constant 128 : i32
      %mul3A_204 = arith.muli %scan3A_200, %mul3A_203 : i32
      %add3A_205 = arith.constant 0 : i32
      %add3A_206 = arith.addi %mul3A_204, %add3A_205 : i32
      %swap3A_207 = arith.index_cast %add3A_206 : i32 to index
      %swap3A_208 = tpu.vector_load %arg8[%swap3A_207] {strides = array<i32>} : memref<6272xf32, #tpu.memory_space<vmem>>, vector<16xf32>,
      %swap3A_209 = vector.shape_cast %swap3A_208 : vector<16xf32> to vector<16xf32>
      %swap3A_210 = vector.shape_cast %broadcast_in_dim3A_202 : vector<16xf32> to vector<16xf32>
      tpu.vector_store %arg8[%swap3A_207], %swap3A_210 {strides = array<i32>} : memref<6272xf32, #tpu.memory_space<vmem>>, vector<16xf32>,
      %broadcast_in_dim3A_211 = arith.constant 0.000000e+00 : f32
      %broadcast_in_dim3A_212 = vector.broadcast %broadcast_in_dim3A_211 : f32 to vector<16xf32>
      %mul3A_213 = arith.constant 128 : i32
      %mul3A_214 = arith.muli %scan3A_200, %mul3A_213 : i32
      %add3A_215 = arith.constant 16 : i32
      %add3A_216 = arith.addi %mul3A_214, %add3A_215 : i32
      %swap3A_217 = arith.index_cast %add3A_216 : i32 to index
      %swap3A_218 = tpu.vector_load %arg8[%swap3A_217] {strides = array<i32>} : memref<6272xf32, #tpu.memory_space<vmem>>, vector<16xf32>,
      %swap3A_219 = vector.shape_cast %swap3A_218 : vector<16xf32> to vector<16xf32>
      %swap3A_220 = vector.shape_cast %broadcast_in_dim3A_212 : vector<16xf32> to vector<16xf32>
      tpu.vector_store %arg8[%swap3A_217], %swap3A_220 {strides = array<i32>} : memref<6272xf32, #tpu.memory_space<vmem>>, vector<16xf32>,
      %broadcast_in_dim3A_221 = arith.constant 0.000000e+00 : f32
      %broadcast_in_dim3A_222 = vector.broadcast %broadcast_in_dim3A_221 : f32 to vector<16xf32>
      %mul3A_223 = arith.constant 128 : i32
      %mul3A_224 = arith.muli %scan3A_200, %mul3A_223 : i32
      %add3A_225 = arith.constant 32 : i32
      %add3A_226 = arith.addi %mul3A_224, %add3A_225 : i32
      %swap3A_227 = arith.index_cast %add3A_226 : i32 to index
      %swap3A_228 = tpu.vector_load %arg8[%swap3A_227] {strides = array<i32>} : memref<6272xf32, #tpu.memory_space<vmem>>, vector<16xf32>,
      %swap3A_229 = vector.shape_cast %swap3A_228 : vector<16xf32> to vector<16xf32>
      %swap3A_230 = vector.shape_cast %broadcast_in_dim3A_222 : vector<16xf32> to vector<16xf32>
      tpu.vector_store %arg8[%swap3A_227], %swap3A_230 {strides = array<i32>} : memref<6272xf32, #tpu.memory_space<vmem>>, vector<16xf32>,
      %broadcast_in_dim3A_231 = arith.constant 0.000000e+00 : f32
      %broadcast_in_dim3A_232 = vector.broadcast %broadcast_in_dim3A_231 : f32 to vector<16xf32>
      %mul3A_233 = arith.constant 128 : i32
      %mul3A_234 = arith.muli %scan3A_200, %mul3A_233 : i32
      %add3A_235 = arith.constant 48 : i32
      %add3A_236 = arith.addi %mul3A_234, %add3A_235 : i32
      %swap3A_237 = arith.index_cast %add3A_236 : i32 to index
      %swap3A_238 = tpu.vector_load %arg8[%swap3A_237] {strides = array<i32>} : memref<6272xf32, #tpu.memory_space<vmem>>, vector<16xf32>,
      %swap3A_239 = vector.shape_cast %swap3A_238 : vector<16xf32> to vector<16xf32>
      %swap3A_240 = vector.shape_cast %broadcast_in_dim3A_232 : vector<16xf32> to vector<16xf32>
      tpu.vector_store %arg8[%swap3A_237], %swap3A_240 {strides = array<i32>} : memref<6272xf32, #tpu.memory_space<vmem>>, vector<16xf32>,
      %broadcast_in_dim3A_241 = arith.constant 0.000000e+00 : f32
      %broadcast_in_dim3A_242 = vector.broadcast %broadcast_in_dim3A_241 : f32 to vector<16xf32>
      %mul3A_243 = arith.constant 128 : i32
      %mul3A_244 = arith.muli %scan3A_200, %mul3A_243 : i32
      %add3A_245 = arith.constant 64 : i32
      %add3A_246 = arith.addi %mul3A_244, %add3A_245 : i32
      %swap3A_247 = arith.index_cast %add3A_246 : i32 to index
      %swap3A_248 = tpu.vector_load %arg8[%swap3A_247] {strides = array<i32>} : memref<6272xf32, #tpu.memory_space<vmem>>, vector<16xf32>,
      %swap3A_249 = vector.shape_cast %swap3A_248 : vector<16xf32> to vector<16xf32>
      %swap3A_250 = vector.shape_cast %broadcast_in_dim3A_242 : vector<16xf32> to vector<16xf32>
      tpu.vector_store %arg8[%swap3A_247], %swap3A_250 {strides = array<i32>} : memref<6272xf32, #tpu.memory_space<vmem>>, vector<16xf32>,
      %broadcast_in_dim3A_251 = arith.constant 0.000000e+00 : f32
      %broadcast_in_dim3A_252 = vector.broadcast %broadcast_in_dim3A_251 : f32 to vector<16xf32>
      %mul3A_253 = arith.constant 128 : i32
      %mul3A_254 = arith.muli %scan3A_200, %mul3A_253 : i32
      %add3A_255 = arith.constant 80 : i32
      %add3A_256 = arith.addi %mul3A_254, %add3A_255 : i32
      %swap3A_257 = arith.index_cast %add3A_256 : i32 to index
      %swap3A_258 = tpu.vector_load %arg8[%swap3A_257] {strides = array<i32>} : memref<6272xf32, #tpu.memory_space<vmem>>, vector<16xf32>,
      %swap3A_259 = vector.shape_cast %swap3A_258 : vector<16xf32> to vector<16xf32>
      %swap3A_260 = vector.shape_cast %broadcast_in_dim3A_252 : vector<16xf32> to vector<16xf32>
      tpu.vector_store %arg8[%swap3A_257], %swap3A_260 {strides = array<i32>} : memref<6272xf32, #tpu.memory_space<vmem>>, vector<16xf32>,
      %broadcast_in_dim3A_261 = arith.constant 0.000000e+00 : f32
      %broadcast_in_dim3A_262 = vector.broadcast %broadcast_in_dim3A_261 : f32 to vector<16xf32>
      %mul3A_263 = arith.constant 128 : i32
      %mul3A_264 = arith.muli %scan3A_200, %mul3A_263 : i32
      %add3A_265 = arith.constant 96 : i32
      %add3A_266 = arith.addi %mul3A_264, %add3A_265 : i32
      %swap3A_267 = arith.index_cast %add3A_266 : i32 to index
      %swap3A_268 = tpu.vector_load %arg8[%swap3A_267] {strides = array<i32>} : memref<6272xf32, #tpu.memory_space<vmem>>, vector<16xf32>,
      %swap3A_269 = vector.shape_cast %swap3A_268 : vector<16xf32> to vector<16xf32>
      %swap3A_270 = vector.shape_cast %broadcast_in_dim3A_262 : vector<16xf32> to vector<16xf32>
      tpu.vector_store %arg8[%swap3A_267], %swap3A_270 {strides = array<i32>} : memref<6272xf32, #tpu.memory_space<vmem>>, vector<16xf32>,
      %broadcast_in_dim3A_271 = arith.constant 0.000000e+00 : f32
      %broadcast_in_dim3A_272 = vector.broadcast %broadcast_in_dim3A_271 : f32 to vector<16xf32>
      %mul3A_273 = arith.constant 128 : i32
      %mul3A_274 = arith.muli %scan3A_200, %mul3A_273 : i32
      %add3A_275 = arith.constant 112 : i32
      %add3A_276 = arith.addi %mul3A_274, %add3A_275 : i32
      %swap3A_277 = arith.index_cast %add3A_276 : i32 to index
      %swap3A_278 = tpu.vector_load %arg8[%swap3A_277] {strides = array<i32>} : memref<6272xf32, #tpu.memory_space<vmem>>, vector<16xf32>,
      %swap3A_279 = vector.shape_cast %swap3A_278 : vector<16xf32> to vector<16xf32>
      %swap3A_280 = vector.shape_cast %broadcast_in_dim3A_272 : vector<16xf32> to vector<16xf32>
      tpu.vector_store %arg8[%swap3A_277], %swap3A_280 {strides = array<i32>} : memref<6272xf32, #tpu.memory_space<vmem>>, vector<16xf32>,
    }
    %scan3A_36 = arith.constant 49 : i32
    %mul3A_37 = arith.constant 6272 : i32
    %mul3A_38 = arith.muli %arg1, %mul3A_37 : i32
    %dma_start3A_39 = tpu.memref_slice %arg10[%mul3A_38] : memref<100352xf32, #tpu.memory_space<vmem_shared>> -> memref<6272xf32, #tpu.memory_space<vmem_shared>>
    %dma_start3A_40 = tpu.memref_slice %arg10[%mul3A_38] : memref<100352xf32, #tpu.memory_space<vmem_shared>> -> memref<6272xf32, #tpu.memory_space<vmem_shared>>
    tpu.enqueue_dma source(%arg8 : memref<6272xf32, #tpu.memory_space<vmem>>) target(%dma_start3A_40 : memref<6272xf32, #tpu.memory_space<vmem_shared>>) target_semaphore(%arg14 : memref<!tpu.dma_semaphore, #tpu.memory_space<semaphore_mem>>)
    %mul3A_41 = arith.constant 6272 : i32
    %mul3A_42 = arith.muli %arg1, %mul3A_41 : i32
    %dma_start3A_43 = tpu.memref_slice %arg11[%mul3A_42] : memref<100352xf32, #tpu.memory_space<vmem_shared>> -> memref<6272xf32, #tpu.memory_space<vmem_shared>>
    %dma_start3A_44 = tpu.memref_slice %arg11[%mul3A_42] : memref<100352xf32, #tpu.memory_space<vmem_shared>> -> memref<6272xf32, #tpu.memory_space<vmem_shared>>
    tpu.enqueue_dma source(%arg8 : memref<6272xf32, #tpu.memory_space<vmem>>) target(%dma_start3A_44 : memref<6272xf32, #tpu.memory_space<vmem_shared>>) target_semaphore(%arg15 : memref<!tpu.dma_semaphore, #tpu.memory_space<semaphore_mem>>)
    %dma_wait3A = tpu.memref_slice %arg10[%mul3A_38] : memref<100352xf32, #tpu.memory_space<vmem_shared>> -> memref<6272xf32, #tpu.memory_space<vmem_shared>>
    %dma_wait3A_45 = tpu.memref_slice %arg10[%mul3A_38] : memref<100352xf32, #tpu.memory_space<vmem_shared>> -> memref<6272xf32, #tpu.memory_space<vmem_shared>>
    tpu.wait_dma2 semaphore(%arg14 : memref<!tpu.dma_semaphore, #tpu.memory_space<semaphore_mem>>) src(%arg8 : memref<6272xf32, #tpu.memory_space<vmem>>) dst(%dma_wait3A_45 : memref<6272xf32, #tpu.memory_space<vmem_shared>>)
    %dma_wait3A_46 = tpu.memref_slice %arg11[%mul3A_42] : memref<100352xf32, #tpu.memory_space<vmem_shared>> -> memref<6272xf32, #tpu.memory_space<vmem_shared>>
    %dma_wait3A_47 = tpu.memref_slice %arg11[%mul3A_42] : memref<100352xf32, #tpu.memory_space<vmem_shared>> -> memref<6272xf32, #tpu.memory_space<vmem_shared>>
    tpu.wait_dma2 semaphore(%arg15 : memref<!tpu.dma_semaphore, #tpu.memory_space<semaphore_mem>>) src(%arg8 : memref<6272xf32, #tpu.memory_space<vmem>>) dst(%dma_wait3A_47 : memref<6272xf32, #tpu.memory_space<vmem_shared>>)
    %broadcast_in_dim3A = arith.constant 1.000000e+00 : f32
    %broadcast_in_dim3A_48 = vector.broadcast %broadcast_in_dim3A : f32 to vector<16xf32>
    %swap3A = arith.constant 0 : index
    %swap3A_49 = tpu.vector_load %arg9[%swap3A] {strides = array<i32>} : memref<128xf32, #tpu.memory_space<vmem>>, vector<16xf32>,
    %swap3A_50 = vector.shape_cast %swap3A_49 : vector<16xf32> to vector<16xf32>
    %swap3A_51 = vector.shape_cast %broadcast_in_dim3A_48 : vector<16xf32> to vector<16xf32>
    tpu.vector_store %arg9[%swap3A], %swap3A_51 {strides = array<i32>} : memref<128xf32, #tpu.memory_space<vmem>>, vector<16xf32>,
    %broadcast_in_dim3A_52 = arith.constant 1.000000e+00 : f32
    %broadcast_in_dim3A_53 = vector.broadcast %broadcast_in_dim3A_52 : f32 to vector<16xf32>
    %swap3A_54 = arith.constant 16 : index
    %swap3A_55 = tpu.vector_load %arg9[%swap3A_54] {strides = array<i32>} : memref<128xf32, #tpu.memory_space<vmem>>, vector<16xf32>,
    %swap3A_56 = vector.shape_cast %swap3A_55 : vector<16xf32> to vector<16xf32>
    %swap3A_57 = vector.shape_cast %broadcast_in_dim3A_53 : vector<16xf32> to vector<16xf32>
    tpu.vector_store %arg9[%swap3A_54], %swap3A_57 {strides = array<i32>} : memref<128xf32, #tpu.memory_space<vmem>>, vector<16xf32>,
    %broadcast_in_dim3A_58 = arith.constant 1.000000e+00 : f32
    %broadcast_in_dim3A_59 = vector.broadcast %broadcast_in_dim3A_58 : f32 to vector<16xf32>
    %swap3A_60 = arith.constant 32 : index
    %swap3A_61 = tpu.vector_load %arg9[%swap3A_60] {strides = array<i32>} : memref<128xf32, #tpu.memory_space<vmem>>, vector<16xf32>,
    %swap3A_62 = vector.shape_cast %swap3A_61 : vector<16xf32> to vector<16xf32>
    %swap3A_63 = vector.shape_cast %broadcast_in_dim3A_59 : vector<16xf32> to vector<16xf32>
    tpu.vector_store %arg9[%swap3A_60], %swap3A_63 {strides = array<i32>} : memref<128xf32, #tpu.memory_space<vmem>>, vector<16xf32>,
    %broadcast_in_dim3A_64 = arith.constant 1.000000e+00 : f32
    %broadcast_in_dim3A_65 = vector.broadcast %broadcast_in_dim3A_64 : f32 to vector<16xf32>
    %swap3A_66 = arith.constant 48 : index
    %swap3A_67 = tpu.vector_load %arg9[%swap3A_66] {strides = array<i32>} : memref<128xf32, #tpu.memory_space<vmem>>, vector<16xf32>,
    %swap3A_68 = vector.shape_cast %swap3A_67 : vector<16xf32> to vector<16xf32>
    %swap3A_69 = vector.shape_cast %broadcast_in_dim3A_65 : vector<16xf32> to vector<16xf32>
    tpu.vector_store %arg9[%swap3A_66], %swap3A_69 {strides = array<i32>} : memref<128xf32, #tpu.memory_space<vmem>>, vector<16xf32>,
    %broadcast_in_dim3A_70 = arith.constant 1.000000e+00 : f32
    %broadcast_in_dim3A_71 = vector.broadcast %broadcast_in_dim3A_70 : f32 to vector<16xf32>
    %swap3A_72 = arith.constant 64 : index
    %swap3A_73 = tpu.vector_load %arg9[%swap3A_72] {strides = array<i32>} : memref<128xf32, #tpu.memory_space<vmem>>, vector<16xf32>,
    %swap3A_74 = vector.shape_cast %swap3A_73 : vector<16xf32> to vector<16xf32>
    %swap3A_75 = vector.shape_cast %broadcast_in_dim3A_71 : vector<16xf32> to vector<16xf32>
    tpu.vector_store %arg9[%swap3A_72], %swap3A_75 {strides = array<i32>} : memref<128xf32, #tpu.memory_space<vmem>>, vector<16xf32>,
    %broadcast_in_dim3A_76 = arith.constant 1.000000e+00 : f32
    %broadcast_in_dim3A_77 = vector.broadcast %broadcast_in_dim3A_76 : f32 to vector<16xf32>
    %swap3A_78 = arith.constant 80 : index
    %swap3A_79 = tpu.vector_load %arg9[%swap3A_78] {strides = array<i32>} : memref<128xf32, #tpu.memory_space<vmem>>, vector<16xf32>,
    %swap3A_80 = vector.shape_cast %swap3A_79 : vector<16xf32> to vector<16xf32>
    %swap3A_81 = vector.shape_cast %broadcast_in_dim3A_77 : vector<16xf32> to vector<16xf32>
    tpu.vector_store %arg9[%swap3A_78], %swap3A_81 {strides = array<i32>} : memref<128xf32, #tpu.memory_space<vmem>>, vector<16xf32>,
    %broadcast_in_dim3A_82 = arith.constant 1.000000e+00 : f32
    %broadcast_in_dim3A_83 = vector.broadcast %broadcast_in_dim3A_82 : f32 to vector<16xf32>
    %swap3A_84 = arith.constant 96 : index
    %swap3A_85 = tpu.vector_load %arg9[%swap3A_84] {strides = array<i32>} : memref<128xf32, #tpu.memory_space<vmem>>, vector<16xf32>,
    %swap3A_86 = vector.shape_cast %swap3A_85 : vector<16xf32> to vector<16xf32>
    %swap3A_87 = vector.shape_cast %broadcast_in_dim3A_83 : vector<16xf32> to vector<16xf32>
    tpu.vector_store %arg9[%swap3A_84], %swap3A_87 {strides = array<i32>} : memref<128xf32, #tpu.memory_space<vmem>>, vector<16xf32>,
    %broadcast_in_dim3A_88 = arith.constant 1.000000e+00 : f32
    %broadcast_in_dim3A_89 = vector.broadcast %broadcast_in_dim3A_88 : f32 to vector<16xf32>
    %swap3A_90 = arith.constant 112 : index
    %swap3A_91 = tpu.vector_load %arg9[%swap3A_90] {strides = array<i32>} : memref<128xf32, #tpu.memory_space<vmem>>, vector<16xf32>,
    %swap3A_92 = vector.shape_cast %swap3A_91 : vector<16xf32> to vector<16xf32>
    %swap3A_93 = vector.shape_cast %broadcast_in_dim3A_89 : vector<16xf32> to vector<16xf32>
    tpu.vector_store %arg9[%swap3A_90], %swap3A_93 {strides = array<i32>} : memref<128xf32, #tpu.memory_space<vmem>>, vector<16xf32>,
    %lt3A_94 = arith.constant 26 : i32
    %lt3A_95 = arith.cmpi slt, %add3A, %lt3A_94 : i32
    %jit3A = arith.constant 1 : i32
    %jit3A_96 = arith.constant 0 : i32
    %select_n3A = arith.select %lt3A_95, %jit3A, %jit3A_96 : i32
    %mul3A_97 = arith.constant 8 : i32
    %mul3A_98 = arith.muli %mul3A_97, %select_n3A : i32
    %add3A_99 = arith.constant 384 : i32
    %add3A_100 = arith.addi %add3A_99, %mul3A_98 : i32
    %eq3A_101 = arith.constant 0 : i32
    %eq3A_102 = arith.cmpi eq, %add3A, %eq3A_101 : i32
    %jit3A_103 = arith.constant 1 : i32
    %jit3A_104 = arith.constant 0 : i32
    %select_n3A_105 = arith.select %eq3A_102, %jit3A_103, %jit3A_104 : i32
    %mul3A_106 = arith.constant 4 : i32
    %mul3A_107 = arith.muli %mul3A_106, %select_n3A_105 : i32
    %add3A_108 = arith.addi %add3A_100, %mul3A_107 : i32
    %dma_wait3A_109 = arith.constant 0 : i32
    %dma_wait3A_110 = arith.constant 0 : i32
    %dma_wait3A_111 = tpu.memref_slice %arg6[%dma_wait3A_109, %dma_wait3A_110] : memref<396x128xi32, #tpu.memory_space<vmem>> -> memref<384x128xi32, #tpu.memory_space<vmem>>
    %dma_wait3A_112 = arith.constant 0 : i32
    %dma_wait3A_113 = arith.constant 0 : i32
    %dma_wait3A_114 = tpu.memref_slice %arg2[%dma_wait3A_112, %dma_wait3A_113] : memref<12500x128xi32, #tpu.memory_space<hbm>> -> memref<384x128xi32, #tpu.memory_space<hbm>>
    %dma_wait3A_115 = arith.constant 0 : i32
    %dma_wait3A_116 = arith.constant 0 : i32
    %dma_wait3A_117 = tpu.memref_slice %arg6[%dma_wait3A_115, %dma_wait3A_116] : memref<396x128xi32, #tpu.memory_space<vmem>> -> memref<384x128xi32, #tpu.memory_space<vmem>>
    %dma_wait3A_118 = arith.constant 0 : i32
    %dma_wait3A_119 = arith.constant 0 : i32
    %dma_wait3A_120 = tpu.memref_slice %arg2[%dma_wait3A_118, %dma_wait3A_119] : memref<12500x128xi32, #tpu.memory_space<hbm>> -> memref<384x128xi32, #tpu.memory_space<hbm>>
    tpu.wait_dma2 semaphore(%arg12 : memref<!tpu.dma_semaphore, #tpu.memory_space<semaphore_mem>>) src(%dma_wait3A_120 : memref<384x128xi32, #tpu.memory_space<hbm>>) dst(%dma_wait3A_117 : memref<384x128xi32, #tpu.memory_space<vmem>>)
    %dma_wait3A_121 = arith.constant 0 : i32
    %dma_wait3A_122 = arith.constant 0 : i32
    %dma_wait3A_123 = tpu.memref_slice %arg7[%dma_wait3A_121, %dma_wait3A_122] : memref<396x128xf32, #tpu.memory_space<vmem>> -> memref<384x128xf32, #tpu.memory_space<vmem>>
    %dma_wait3A_124 = arith.constant 0 : i32
    %dma_wait3A_125 = arith.constant 0 : i32
    %dma_wait3A_126 = tpu.memref_slice %arg3[%dma_wait3A_124, %dma_wait3A_125] : memref<12500x128xf32, #tpu.memory_space<hbm>> -> memref<384x128xf32, #tpu.memory_space<hbm>>
    %dma_wait3A_127 = arith.constant 0 : i32
    %dma_wait3A_128 = arith.constant 0 : i32
    %dma_wait3A_129 = tpu.memref_slice %arg7[%dma_wait3A_127, %dma_wait3A_128] : memref<396x128xf32, #tpu.memory_space<vmem>> -> memref<384x128xf32, #tpu.memory_space<vmem>>
    %dma_wait3A_130 = arith.constant 0 : i32
    %dma_wait3A_131 = arith.constant 0 : i32
    %dma_wait3A_132 = tpu.memref_slice %arg3[%dma_wait3A_130, %dma_wait3A_131] : memref<12500x128xf32, #tpu.memory_space<hbm>> -> memref<384x128xf32, #tpu.memory_space<hbm>>
    tpu.wait_dma2 semaphore(%arg12 : memref<!tpu.dma_semaphore, #tpu.memory_space<semaphore_mem>>) src(%dma_wait3A_132 : memref<384x128xf32, #tpu.memory_space<hbm>>) dst(%dma_wait3A_129 : memref<384x128xf32, #tpu.memory_space<vmem>>)
    %lt3A_133 = arith.constant 26 : i32
    %lt3A_134 = arith.cmpi slt, %add3A, %lt3A_133 : i32
    %convert_element_type3A_135 = arith.extui %lt3A_134 : i1 to i32
    %cond3A_136 = arith.constant 0 : i32
    %cond3A_137 = arith.cmpi ne, %convert_element_type3A_135, %cond3A_136 : i32
    scf.if %cond3A_137 {
      %dma_wait3A_200 = arith.constant 384 : i32
      %dma_wait3A_201 = arith.constant 0 : i32
      %dma_wait3A_202 = tpu.memref_slice %arg6[%dma_wait3A_200, %dma_wait3A_201] : memref<396x128xi32, #tpu.memory_space<vmem>> -> memref<8x128xi32, #tpu.memory_space<vmem>>
      %dma_wait3A_203 = arith.constant 0 : i32
      %dma_wait3A_204 = arith.constant 0 : i32
      %dma_wait3A_205 = tpu.memref_slice %arg2[%dma_wait3A_203, %dma_wait3A_204] : memref<12500x128xi32, #tpu.memory_space<hbm>> -> memref<8x128xi32, #tpu.memory_space<hbm>>
      %dma_wait3A_206 = arith.constant 384 : i32
      %dma_wait3A_207 = arith.constant 0 : i32
      %dma_wait3A_208 = tpu.memref_slice %arg6[%dma_wait3A_206, %dma_wait3A_207] : memref<396x128xi32, #tpu.memory_space<vmem>> -> memref<8x128xi32, #tpu.memory_space<vmem>>
      %dma_wait3A_209 = arith.constant 0 : i32
      %dma_wait3A_210 = arith.constant 0 : i32
      %dma_wait3A_211 = tpu.memref_slice %arg2[%dma_wait3A_209, %dma_wait3A_210] : memref<12500x128xi32, #tpu.memory_space<hbm>> -> memref<8x128xi32, #tpu.memory_space<hbm>>
      tpu.wait_dma2 semaphore(%arg13 : memref<!tpu.dma_semaphore, #tpu.memory_space<semaphore_mem>>) src(%dma_wait3A_211 : memref<8x128xi32, #tpu.memory_space<hbm>>) dst(%dma_wait3A_208 : memref<8x128xi32, #tpu.memory_space<vmem>>)
      %dma_wait3A_212 = arith.constant 384 : i32
      %dma_wait3A_213 = arith.constant 0 : i32
      %dma_wait3A_214 = tpu.memref_slice %arg7[%dma_wait3A_212, %dma_wait3A_213] : memref<396x128xf32, #tpu.memory_space<vmem>> -> memref<8x128xf32, #tpu.memory_space<vmem>>
      %dma_wait3A_215 = arith.constant 0 : i32
      %dma_wait3A_216 = arith.constant 0 : i32
      %dma_wait3A_217 = tpu.memref_slice %arg3[%dma_wait3A_215, %dma_wait3A_216] : memref<12500x128xf32, #tpu.memory_space<hbm>> -> memref<8x128xf32, #tpu.memory_space<hbm>>
      %dma_wait3A_218 = arith.constant 384 : i32
      %dma_wait3A_219 = arith.constant 0 : i32
      %dma_wait3A_220 = tpu.memref_slice %arg7[%dma_wait3A_218, %dma_wait3A_219] : memref<396x128xf32, #tpu.memory_space<vmem>> -> memref<8x128xf32, #tpu.memory_space<vmem>>
      %dma_wait3A_221 = arith.constant 0 : i32
      %dma_wait3A_222 = arith.constant 0 : i32
      %dma_wait3A_223 = tpu.memref_slice %arg3[%dma_wait3A_221, %dma_wait3A_222] : memref<12500x128xf32, #tpu.memory_space<hbm>> -> memref<8x128xf32, #tpu.memory_space<hbm>>
      tpu.wait_dma2 semaphore(%arg13 : memref<!tpu.dma_semaphore, #tpu.memory_space<semaphore_mem>>) src(%dma_wait3A_223 : memref<8x128xf32, #tpu.memory_space<hbm>>) dst(%dma_wait3A_220 : memref<8x128xf32, #tpu.memory_space<vmem>>)
    } else {
    }
    %eq3A_138 = arith.constant 0 : i32
    %eq3A_139 = arith.cmpi eq, %add3A, %eq3A_138 : i32
    %convert_element_type3A_140 = arith.extui %eq3A_139 : i1 to i32
    %cond3A_141 = arith.constant 0 : i32
    %cond3A_142 = arith.cmpi ne, %convert_element_type3A_140, %cond3A_141 : i32
    scf.if %cond3A_142 {
      %dma_wait3A_200 = arith.constant 392 : i32
      %dma_wait3A_201 = arith.constant 0 : i32
      %dma_wait3A_202 = tpu.memref_slice %arg6[%dma_wait3A_200, %dma_wait3A_201] : memref<396x128xi32, #tpu.memory_space<vmem>> -> memref<4x128xi32, #tpu.memory_space<vmem>>
      %dma_wait3A_203 = arith.constant 0 : i32
      %dma_wait3A_204 = arith.constant 0 : i32
      %dma_wait3A_205 = tpu.memref_slice %arg2[%dma_wait3A_203, %dma_wait3A_204] : memref<12500x128xi32, #tpu.memory_space<hbm>> -> memref<4x128xi32, #tpu.memory_space<hbm>>
      %dma_wait3A_206 = arith.constant 392 : i32
      %dma_wait3A_207 = arith.constant 0 : i32
      %dma_wait3A_208 = tpu.memref_slice %arg6[%dma_wait3A_206, %dma_wait3A_207] : memref<396x128xi32, #tpu.memory_space<vmem>> -> memref<4x128xi32, #tpu.memory_space<vmem>>
      %dma_wait3A_209 = arith.constant 0 : i32
      %dma_wait3A_210 = arith.constant 0 : i32
      %dma_wait3A_211 = tpu.memref_slice %arg2[%dma_wait3A_209, %dma_wait3A_210] : memref<12500x128xi32, #tpu.memory_space<hbm>> -> memref<4x128xi32, #tpu.memory_space<hbm>>
      tpu.wait_dma2 semaphore(%arg13 : memref<!tpu.dma_semaphore, #tpu.memory_space<semaphore_mem>>) src(%dma_wait3A_211 : memref<4x128xi32, #tpu.memory_space<hbm>>) dst(%dma_wait3A_208 : memref<4x128xi32, #tpu.memory_space<vmem>>)
      %dma_wait3A_212 = arith.constant 392 : i32
      %dma_wait3A_213 = arith.constant 0 : i32
      %dma_wait3A_214 = tpu.memref_slice %arg7[%dma_wait3A_212, %dma_wait3A_213] : memref<396x128xf32, #tpu.memory_space<vmem>> -> memref<4x128xf32, #tpu.memory_space<vmem>>
      %dma_wait3A_215 = arith.constant 0 : i32
      %dma_wait3A_216 = arith.constant 0 : i32
      %dma_wait3A_217 = tpu.memref_slice %arg3[%dma_wait3A_215, %dma_wait3A_216] : memref<12500x128xf32, #tpu.memory_space<hbm>> -> memref<4x128xf32, #tpu.memory_space<hbm>>
      %dma_wait3A_218 = arith.constant 392 : i32
      %dma_wait3A_219 = arith.constant 0 : i32
      %dma_wait3A_220 = tpu.memref_slice %arg7[%dma_wait3A_218, %dma_wait3A_219] : memref<396x128xf32, #tpu.memory_space<vmem>> -> memref<4x128xf32, #tpu.memory_space<vmem>>
      %dma_wait3A_221 = arith.constant 0 : i32
      %dma_wait3A_222 = arith.constant 0 : i32
      %dma_wait3A_223 = tpu.memref_slice %arg3[%dma_wait3A_221, %dma_wait3A_222] : memref<12500x128xf32, #tpu.memory_space<hbm>> -> memref<4x128xf32, #tpu.memory_space<hbm>>
      tpu.wait_dma2 semaphore(%arg13 : memref<!tpu.dma_semaphore, #tpu.memory_space<semaphore_mem>>) src(%dma_wait3A_223 : memref<4x128xf32, #tpu.memory_space<hbm>>) dst(%dma_wait3A_220 : memref<4x128xf32, #tpu.memory_space<vmem>>)
    } else {
    }
    %barrier3A = arith.constant 0 : index
    tpu.barrier barrier_id(%barrier3A)
    %scan3A_143 = arith.constant 0 : i32
    %scan3A_144 = arith.constant 0 : i32
    %scan3A_145 = arith.constant 4 : i32
    %scan3A_146 = arith.addi %scan3A_144, %scan3A_145 : i32
    %scan3A_147 = arith.constant 1 : i32
    scf.for %scan3A_200 = %scan3A_144 to %scan3A_146 step %scan3A_147  : i32 {
      %mul3A_201 = arith.constant 2 : i32
      %mul3A_202 = arith.muli %mul3A_201, %scan3A_200 : i32
      %dma_start3A_203 = arith.constant 0 : i32
      %dma_start3A_204 = tpu.memref_slice %arg7[%mul3A_202, %dma_start3A_203] : memref<396x128xf32, #tpu.memory_space<vmem>> -> memref<1x128xf32, #tpu.memory_space<vmem>>
      %dma_start3A_205 = tpu.memref_squeeze %dma_start3A_204 : memref<1x128xf32, #tpu.memory_space<vmem>> -> memref<128xf32, #tpu.memory_space<vmem>>
      %dma_start3A_206 = arith.constant 0 : i32
      %dma_start3A_207 = tpu.memref_slice %arg6[%mul3A_202, %dma_start3A_206] : memref<396x128xi32, #tpu.memory_space<vmem>> -> memref<1x128xi32, #tpu.memory_space<vmem>>
      %dma_start3A_208 = tpu.memref_squeeze %dma_start3A_207 : memref<1x128xi32, #tpu.memory_space<vmem>> -> memref<128xi32, #tpu.memory_space<vmem>>
      %dma_start3A_209 = arith.constant 0 : i32
      %dma_start3A_210 = tpu.memref_slice %arg10[%dma_start3A_209] : memref<100352xf32, #tpu.memory_space<vmem_shared>> -> memref<100352xf32, #tpu.memory_space<vmem_shared>>
      tpu.enqueue_indirect_dma source(%dma_start3A_205 : memref<128xf32, #tpu.memory_space<vmem>>) target(%dma_start3A_210 : memref<100352xf32, #tpu.memory_space<vmem_shared>>) offsets(%dma_start3A_208 : memref<128xi32, #tpu.memory_space<vmem>>) semaphore(%arg12 : memref<!tpu.dma_semaphore, #tpu.memory_space<semaphore_mem>>) {add = true}
      %dma_start3A_211 = arith.constant 0 : i32
      %dma_start3A_212 = tpu.memref_slice %arg6[%mul3A_202, %dma_start3A_211] : memref<396x128xi32, #tpu.memory_space<vmem>> -> memref<1x128xi32, #tpu.memory_space<vmem>>
      %dma_start3A_213 = tpu.memref_squeeze %dma_start3A_212 : memref<1x128xi32, #tpu.memory_space<vmem>> -> memref<128xi32, #tpu.memory_space<vmem>>
      %dma_start3A_214 = arith.constant 0 : i32
      %dma_start3A_215 = tpu.memref_slice %arg11[%dma_start3A_214] : memref<100352xf32, #tpu.memory_space<vmem_shared>> -> memref<100352xf32, #tpu.memory_space<vmem_shared>>
      tpu.enqueue_indirect_dma source(%arg9 : memref<128xf32, #tpu.memory_space<vmem>>) target(%dma_start3A_215 : memref<100352xf32, #tpu.memory_space<vmem_shared>>) offsets(%dma_start3A_213 : memref<128xi32, #tpu.memory_space<vmem>>) semaphore(%arg13 : memref<!tpu.dma_semaphore, #tpu.memory_space<semaphore_mem>>) {add = true}
      %add3A_216 = arith.constant 1 : i32
      %add3A_217 = arith.addi %mul3A_202, %add3A_216 : i32
      %add3A_218 = arith.constant 1 : i32
      %add3A_219 = arith.addi %mul3A_202, %add3A_218 : i32
      %dma_start3A_220 = arith.constant 0 : i32
      %dma_start3A_221 = tpu.memref_slice %arg7[%add3A_217, %dma_start3A_220] : memref<396x128xf32, #tpu.memory_space<vmem>> -> memref<1x128xf32, #tpu.memory_space<vmem>>
      %dma_start3A_222 = tpu.memref_squeeze %dma_start3A_221 : memref<1x128xf32, #tpu.memory_space<vmem>> -> memref<128xf32, #tpu.memory_space<vmem>>
      %dma_start3A_223 = arith.constant 0 : i32
      %dma_start3A_224 = tpu.memref_slice %arg6[%add3A_219, %dma_start3A_223] : memref<396x128xi32, #tpu.memory_space<vmem>> -> memref<1x128xi32, #tpu.memory_space<vmem>>
      %dma_start3A_225 = tpu.memref_squeeze %dma_start3A_224 : memref<1x128xi32, #tpu.memory_space<vmem>> -> memref<128xi32, #tpu.memory_space<vmem>>
      %dma_start3A_226 = arith.constant 0 : i32
      %dma_start3A_227 = tpu.memref_slice %arg10[%dma_start3A_226] : memref<100352xf32, #tpu.memory_space<vmem_shared>> -> memref<100352xf32, #tpu.memory_space<vmem_shared>>
      tpu.enqueue_indirect_dma source(%dma_start3A_222 : memref<128xf32, #tpu.memory_space<vmem>>) target(%dma_start3A_227 : memref<100352xf32, #tpu.memory_space<vmem_shared>>) offsets(%dma_start3A_225 : memref<128xi32, #tpu.memory_space<vmem>>) semaphore(%arg14 : memref<!tpu.dma_semaphore, #tpu.memory_space<semaphore_mem>>) {add = true}
      %add3A_228 = arith.constant 1 : i32
      %add3A_229 = arith.addi %mul3A_202, %add3A_228 : i32
      %dma_start3A_230 = arith.constant 0 : i32
      %dma_start3A_231 = tpu.memref_slice %arg6[%add3A_229, %dma_start3A_230] : memref<396x128xi32, #tpu.memory_space<vmem>> -> memref<1x128xi32, #tpu.memory_space<vmem>>
      %dma_start3A_232 = tpu.memref_squeeze %dma_start3A_231 : memref<1x128xi32, #tpu.memory_space<vmem>> -> memref<128xi32, #tpu.memory_space<vmem>>
      %dma_start3A_233 = arith.constant 0 : i32
      %dma_start3A_234 = tpu.memref_slice %arg11[%dma_start3A_233] : memref<100352xf32, #tpu.memory_space<vmem_shared>> -> memref<100352xf32, #tpu.memory_space<vmem_shared>>
      tpu.enqueue_indirect_dma source(%arg9 : memref<128xf32, #tpu.memory_space<vmem>>) target(%dma_start3A_234 : memref<100352xf32, #tpu.memory_space<vmem_shared>>) offsets(%dma_start3A_232 : memref<128xi32, #tpu.memory_space<vmem>>) semaphore(%arg15 : memref<!tpu.dma_semaphore, #tpu.memory_space<semaphore_mem>>) {add = true}
    }
    %scan3A_148 = arith.constant 4 : i32
    %jit3A_149 = arith.constant 2 : i32
    %div3A = arith.divsi %add3A_108, %jit3A_149 : i32
    %sign3A = arith.constant 0 : i32
    %sign3A_150 = arith.cmpi sgt, %add3A_108, %sign3A : i32
    %sign3A_151 = arith.extui %sign3A_150 : i1 to i32
    %sign3A_152 = arith.constant 0 : i32
    %sign3A_153 = arith.cmpi slt, %add3A_108, %sign3A_152 : i32
    %sign3A_154 = arith.extui %sign3A_153 : i1 to i32
    %sign3A_155 = arith.subi %sign3A_151, %sign3A_154 : i32
    %sign3A_156 = arith.constant 0 : i32
    %sign3A_157 = arith.cmpi sgt, %jit3A_149, %sign3A_156 : i32
    %sign3A_158 = arith.extui %sign3A_157 : i1 to i32
    %sign3A_159 = arith.constant 0 : i32
    %sign3A_160 = arith.cmpi slt, %jit3A_149, %sign3A_159 : i32
    %sign3A_161 = arith.extui %sign3A_160 : i1 to i32
    %sign3A_162 = arith.subi %sign3A_158, %sign3A_161 : i32
    %ne3A = arith.cmpi ne, %sign3A_155, %sign3A_162 : i32
    %rem3A = arith.remsi %add3A_108, %jit3A_149 : i32
    %ne3A_163 = arith.constant 0 : i32
    %ne3A_164 = arith.cmpi ne, %rem3A, %ne3A_163 : i32
    %and3A = arith.andi %ne3A, %ne3A_164 : i1
    %sub3A = arith.constant 1 : i32
    %sub3A_165 = arith.subi %div3A, %sub3A : i32
    %select_n3A_166 = arith.select %and3A, %sub3A_165, %div3A : i32
    %while3A = arith.constant 0 : i32
    %while3A_167 = arith.constant 4 : i32
    %while3A_168 = arith.subi %select_n3A_166, %while3A_167 : i32
    %while3A_169 = arith.addi %while3A_167, %while3A_168 : i32
    %while3A_170 = arith.constant 1 : i32
    %while3A_171 = arith.divsi %while3A_168, %while3A_170 : i32
    %while3A_172 = arith.muli %while3A_171, %while3A_170 : i32
    %while3A_173 = arith.addi %while3A_167, %while3A_172 : i32
    %while3A_174 = arith.constant 1 : i32
    scf.for %while3A_200 = %while3A_167 to %while3A_173 step %while3A_174  : i32 {
      %mul3A_201 = arith.constant 2 : i32
      %mul3A_202 = arith.muli %mul3A_201, %while3A_200 : i32
      %dma_start3A_203 = arith.constant 0 : i32
      %dma_start3A_204 = tpu.memref_slice %arg7[%mul3A_202, %dma_start3A_203] : memref<396x128xf32, #tpu.memory_space<vmem>> -> memref<1x128xf32, #tpu.memory_space<vmem>>
      %dma_start3A_205 = tpu.memref_squeeze %dma_start3A_204 : memref<1x128xf32, #tpu.memory_space<vmem>> -> memref<128xf32, #tpu.memory_space<vmem>>
      %dma_start3A_206 = arith.constant 0 : i32
      %dma_start3A_207 = tpu.memref_slice %arg6[%mul3A_202, %dma_start3A_206] : memref<396x128xi32, #tpu.memory_space<vmem>> -> memref<1x128xi32, #tpu.memory_space<vmem>>
      %dma_start3A_208 = tpu.memref_squeeze %dma_start3A_207 : memref<1x128xi32, #tpu.memory_space<vmem>> -> memref<128xi32, #tpu.memory_space<vmem>>
      %dma_start3A_209 = arith.constant 0 : i32
      %dma_start3A_210 = tpu.memref_slice %arg10[%dma_start3A_209] : memref<100352xf32, #tpu.memory_space<vmem_shared>> -> memref<100352xf32, #tpu.memory_space<vmem_shared>>
      tpu.enqueue_indirect_dma source(%dma_start3A_205 : memref<128xf32, #tpu.memory_space<vmem>>) target(%dma_start3A_210 : memref<100352xf32, #tpu.memory_space<vmem_shared>>) offsets(%dma_start3A_208 : memref<128xi32, #tpu.memory_space<vmem>>) semaphore(%arg12 : memref<!tpu.dma_semaphore, #tpu.memory_space<semaphore_mem>>) {add = true}
      %dma_start3A_211 = arith.constant 0 : i32
      %dma_start3A_212 = tpu.memref_slice %arg6[%mul3A_202, %dma_start3A_211] : memref<396x128xi32, #tpu.memory_space<vmem>> -> memref<1x128xi32, #tpu.memory_space<vmem>>
      %dma_start3A_213 = tpu.memref_squeeze %dma_start3A_212 : memref<1x128xi32, #tpu.memory_space<vmem>> -> memref<128xi32, #tpu.memory_space<vmem>>
      %dma_start3A_214 = arith.constant 0 : i32
      %dma_start3A_215 = tpu.memref_slice %arg11[%dma_start3A_214] : memref<100352xf32, #tpu.memory_space<vmem_shared>> -> memref<100352xf32, #tpu.memory_space<vmem_shared>>
      tpu.enqueue_indirect_dma source(%arg9 : memref<128xf32, #tpu.memory_space<vmem>>) target(%dma_start3A_215 : memref<100352xf32, #tpu.memory_space<vmem_shared>>) offsets(%dma_start3A_213 : memref<128xi32, #tpu.memory_space<vmem>>) semaphore(%arg13 : memref<!tpu.dma_semaphore, #tpu.memory_space<semaphore_mem>>) {add = true}
      %add3A_216 = arith.constant 1 : i32
      %add3A_217 = arith.addi %mul3A_202, %add3A_216 : i32
      %add3A_218 = arith.constant 1 : i32
      %add3A_219 = arith.addi %mul3A_202, %add3A_218 : i32
      %dma_start3A_220 = arith.constant 0 : i32
      %dma_start3A_221 = tpu.memref_slice %arg7[%add3A_217, %dma_start3A_220] : memref<396x128xf32, #tpu.memory_space<vmem>> -> memref<1x128xf32, #tpu.memory_space<vmem>>
      %dma_start3A_222 = tpu.memref_squeeze %dma_start3A_221 : memref<1x128xf32, #tpu.memory_space<vmem>> -> memref<128xf32, #tpu.memory_space<vmem>>
      %dma_start3A_223 = arith.constant 0 : i32
      %dma_start3A_224 = tpu.memref_slice %arg6[%add3A_219, %dma_start3A_223] : memref<396x128xi32, #tpu.memory_space<vmem>> -> memref<1x128xi32, #tpu.memory_space<vmem>>
      %dma_start3A_225 = tpu.memref_squeeze %dma_start3A_224 : memref<1x128xi32, #tpu.memory_space<vmem>> -> memref<128xi32, #tpu.memory_space<vmem>>
      %dma_start3A_226 = arith.constant 0 : i32
      %dma_start3A_227 = tpu.memref_slice %arg10[%dma_start3A_226] : memref<100352xf32, #tpu.memory_space<vmem_shared>> -> memref<100352xf32, #tpu.memory_space<vmem_shared>>
      tpu.enqueue_indirect_dma source(%dma_start3A_222 : memref<128xf32, #tpu.memory_space<vmem>>) target(%dma_start3A_227 : memref<100352xf32, #tpu.memory_space<vmem_shared>>) offsets(%dma_start3A_225 : memref<128xi32, #tpu.memory_space<vmem>>) semaphore(%arg14 : memref<!tpu.dma_semaphore, #tpu.memory_space<semaphore_mem>>) {add = true}
      %add3A_228 = arith.constant 1 : i32
      %add3A_229 = arith.addi %mul3A_202, %add3A_228 : i32
      %dma_start3A_230 = arith.constant 0 : i32
      %dma_start3A_231 = tpu.memref_slice %arg6[%add3A_229, %dma_start3A_230] : memref<396x128xi32, #tpu.memory_space<vmem>> -> memref<1x128xi32, #tpu.memory_space<vmem>>
      %dma_start3A_232 = tpu.memref_squeeze %dma_start3A_231 : memref<1x128xi32, #tpu.memory_space<vmem>> -> memref<128xi32, #tpu.memory_space<vmem>>
      %dma_start3A_233 = arith.constant 0 : i32
      %dma_start3A_234 = tpu.memref_slice %arg11[%dma_start3A_233] : memref<100352xf32, #tpu.memory_space<vmem_shared>> -> memref<100352xf32, #tpu.memory_space<vmem_shared>>
      tpu.enqueue_indirect_dma source(%arg9 : memref<128xf32, #tpu.memory_space<vmem>>) target(%dma_start3A_234 : memref<100352xf32, #tpu.memory_space<vmem_shared>>) offsets(%dma_start3A_232 : memref<128xi32, #tpu.memory_space<vmem>>) semaphore(%arg15 : memref<!tpu.dma_semaphore, #tpu.memory_space<semaphore_mem>>) {add = true}
      %dma_wait3A_235 = arith.constant 0 : i32
      %dma_wait3A_236 = arith.constant 0 : i32
      %dma_wait3A_237 = tpu.memref_slice %arg7[%dma_wait3A_235, %dma_wait3A_236] : memref<396x128xf32, #tpu.memory_space<vmem>> -> memref<1x128xf32, #tpu.memory_space<vmem>>
      %dma_wait3A_238 = tpu.memref_squeeze %dma_wait3A_237 : memref<1x128xf32, #tpu.memory_space<vmem>> -> memref<128xf32, #tpu.memory_space<vmem>>
      %dma_wait3A_239 = arith.constant 0 : i32
      %dma_wait3A_240 = tpu.memref_slice %arg10[%dma_wait3A_239] : memref<100352xf32, #tpu.memory_space<vmem_shared>> -> memref<128xf32, #tpu.memory_space<vmem_shared>>
      %dma_wait3A_241 = arith.constant 0 : i32
      %dma_wait3A_242 = tpu.memref_slice %arg10[%dma_wait3A_241] : memref<100352xf32, #tpu.memory_space<vmem_shared>> -> memref<128xf32, #tpu.memory_space<vmem_shared>>
      %dma_wait3A_243 = arith.constant 0 : i32
      %dma_wait3A_244 = tpu.memref_slice %arg7[%dma_wait3A_235, %dma_wait3A_243] : memref<396x128xf32, #tpu.memory_space<vmem>> -> memref<1x128xf32, #tpu.memory_space<vmem>>
      %dma_wait3A_245 = tpu.memref_squeeze %dma_wait3A_244 : memref<1x128xf32, #tpu.memory_space<vmem>> -> memref<128xf32, #tpu.memory_space<vmem>>
      tpu.wait_dma2 semaphore(%arg12 : memref<!tpu.dma_semaphore, #tpu.memory_space<semaphore_mem>>) src(%dma_wait3A_245 : memref<128xf32, #tpu.memory_space<vmem>>) dst(%dma_wait3A_242 : memref<128xf32, #tpu.memory_space<vmem_shared>>)
      %dma_wait3A_246 = arith.constant 0 : i32
      %dma_wait3A_247 = arith.constant 0 : i32
      %dma_wait3A_248 = tpu.memref_slice %arg7[%dma_wait3A_246, %dma_wait3A_247] : memref<396x128xf32, #tpu.memory_space<vmem>> -> memref<1x128xf32, #tpu.memory_space<vmem>>
      %dma_wait3A_249 = tpu.memref_squeeze %dma_wait3A_248 : memref<1x128xf32, #tpu.memory_space<vmem>> -> memref<128xf32, #tpu.memory_space<vmem>>
      %dma_wait3A_250 = arith.constant 0 : i32
      %dma_wait3A_251 = tpu.memref_slice %arg10[%dma_wait3A_250] : memref<100352xf32, #tpu.memory_space<vmem_shared>> -> memref<128xf32, #tpu.memory_space<vmem_shared>>
      %dma_wait3A_252 = arith.constant 0 : i32
      %dma_wait3A_253 = tpu.memref_slice %arg10[%dma_wait3A_252] : memref<100352xf32, #tpu.memory_space<vmem_shared>> -> memref<128xf32, #tpu.memory_space<vmem_shared>>
      %dma_wait3A_254 = arith.constant 0 : i32
      %dma_wait3A_255 = tpu.memref_slice %arg7[%dma_wait3A_246, %dma_wait3A_254] : memref<396x128xf32, #tpu.memory_space<vmem>> -> memref<1x128xf32, #tpu.memory_space<vmem>>
      %dma_wait3A_256 = tpu.memref_squeeze %dma_wait3A_255 : memref<1x128xf32, #tpu.memory_space<vmem>> -> memref<128xf32, #tpu.memory_space<vmem>>
      tpu.wait_dma2 semaphore(%arg14 : memref<!tpu.dma_semaphore, #tpu.memory_space<semaphore_mem>>) src(%dma_wait3A_256 : memref<128xf32, #tpu.memory_space<vmem>>) dst(%dma_wait3A_253 : memref<128xf32, #tpu.memory_space<vmem_shared>>)
      %dma_wait3A_257 = arith.constant 0 : i32
      %dma_wait3A_258 = tpu.memref_slice %arg11[%dma_wait3A_257] : memref<100352xf32, #tpu.memory_space<vmem_shared>> -> memref<128xf32, #tpu.memory_space<vmem_shared>>
      %dma_wait3A_259 = arith.constant 0 : i32
      %dma_wait3A_260 = tpu.memref_slice %arg11[%dma_wait3A_259] : memref<100352xf32, #tpu.memory_space<vmem_shared>> -> memref<128xf32, #tpu.memory_space<vmem_shared>>
      tpu.wait_dma2 semaphore(%arg13 : memref<!tpu.dma_semaphore, #tpu.memory_space<semaphore_mem>>) src(%arg9 : memref<128xf32, #tpu.memory_space<vmem>>) dst(%dma_wait3A_260 : memref<128xf32, #tpu.memory_space<vmem_shared>>)
      %dma_wait3A_261 = arith.constant 0 : i32
      %dma_wait3A_262 = tpu.memref_slice %arg11[%dma_wait3A_261] : memref<100352xf32, #tpu.memory_space<vmem_shared>> -> memref<128xf32, #tpu.memory_space<vmem_shared>>
      %dma_wait3A_263 = arith.constant 0 : i32
      %dma_wait3A_264 = tpu.memref_slice %arg11[%dma_wait3A_263] : memref<100352xf32, #tpu.memory_space<vmem_shared>> -> memref<128xf32, #tpu.memory_space<vmem_shared>>
      tpu.wait_dma2 semaphore(%arg15 : memref<!tpu.dma_semaphore, #tpu.memory_space<semaphore_mem>>) src(%arg9 : memref<128xf32, #tpu.memory_space<vmem>>) dst(%dma_wait3A_264 : memref<128xf32, #tpu.memory_space<vmem_shared>>)
    }
    %while3A_175 = arith.constant 1 : i32
    scf.for %while3A_200 = %while3A_173 to %while3A_169 step %while3A_175  : i32 {
      %mul3A_201 = arith.constant 2 : i32
      %mul3A_202 = arith.muli %mul3A_201, %while3A_200 : i32
      %dma_start3A_203 = arith.constant 0 : i32
      %dma_start3A_204 = tpu.memref_slice %arg7[%mul3A_202, %dma_start3A_203] : memref<396x128xf32, #tpu.memory_space<vmem>> -> memref<1x128xf32, #tpu.memory_space<vmem>>
      %dma_start3A_205 = tpu.memref_squeeze %dma_start3A_204 : memref<1x128xf32, #tpu.memory_space<vmem>> -> memref<128xf32, #tpu.memory_space<vmem>>
      %dma_start3A_206 = arith.constant 0 : i32
      %dma_start3A_207 = tpu.memref_slice %arg6[%mul3A_202, %dma_start3A_206] : memref<396x128xi32, #tpu.memory_space<vmem>> -> memref<1x128xi32, #tpu.memory_space<vmem>>
      %dma_start3A_208 = tpu.memref_squeeze %dma_start3A_207 : memref<1x128xi32, #tpu.memory_space<vmem>> -> memref<128xi32, #tpu.memory_space<vmem>>
      %dma_start3A_209 = arith.constant 0 : i32
      %dma_start3A_210 = tpu.memref_slice %arg10[%dma_start3A_209] : memref<100352xf32, #tpu.memory_space<vmem_shared>> -> memref<100352xf32, #tpu.memory_space<vmem_shared>>
      tpu.enqueue_indirect_dma source(%dma_start3A_205 : memref<128xf32, #tpu.memory_space<vmem>>) target(%dma_start3A_210 : memref<100352xf32, #tpu.memory_space<vmem_shared>>) offsets(%dma_start3A_208 : memref<128xi32, #tpu.memory_space<vmem>>) semaphore(%arg12 : memref<!tpu.dma_semaphore, #tpu.memory_space<semaphore_mem>>) {add = true}
      %dma_start3A_211 = arith.constant 0 : i32
      %dma_start3A_212 = tpu.memref_slice %arg6[%mul3A_202, %dma_start3A_211] : memref<396x128xi32, #tpu.memory_space<vmem>> -> memref<1x128xi32, #tpu.memory_space<vmem>>
      %dma_start3A_213 = tpu.memref_squeeze %dma_start3A_212 : memref<1x128xi32, #tpu.memory_space<vmem>> -> memref<128xi32, #tpu.memory_space<vmem>>
      %dma_start3A_214 = arith.constant 0 : i32
      %dma_start3A_215 = tpu.memref_slice %arg11[%dma_start3A_214] : memref<100352xf32, #tpu.memory_space<vmem_shared>> -> memref<100352xf32, #tpu.memory_space<vmem_shared>>
      tpu.enqueue_indirect_dma source(%arg9 : memref<128xf32, #tpu.memory_space<vmem>>) target(%dma_start3A_215 : memref<100352xf32, #tpu.memory_space<vmem_shared>>) offsets(%dma_start3A_213 : memref<128xi32, #tpu.memory_space<vmem>>) semaphore(%arg13 : memref<!tpu.dma_semaphore, #tpu.memory_space<semaphore_mem>>) {add = true}
      %add3A_216 = arith.constant 1 : i32
      %add3A_217 = arith.addi %mul3A_202, %add3A_216 : i32
      %add3A_218 = arith.constant 1 : i32
      %add3A_219 = arith.addi %mul3A_202, %add3A_218 : i32
      %dma_start3A_220 = arith.constant 0 : i32
      %dma_start3A_221 = tpu.memref_slice %arg7[%add3A_217, %dma_start3A_220] : memref<396x128xf32, #tpu.memory_space<vmem>> -> memref<1x128xf32, #tpu.memory_space<vmem>>
      %dma_start3A_222 = tpu.memref_squeeze %dma_start3A_221 : memref<1x128xf32, #tpu.memory_space<vmem>> -> memref<128xf32, #tpu.memory_space<vmem>>
      %dma_start3A_223 = arith.constant 0 : i32
      %dma_start3A_224 = tpu.memref_slice %arg6[%add3A_219, %dma_start3A_223] : memref<396x128xi32, #tpu.memory_space<vmem>> -> memref<1x128xi32, #tpu.memory_space<vmem>>
      %dma_start3A_225 = tpu.memref_squeeze %dma_start3A_224 : memref<1x128xi32, #tpu.memory_space<vmem>> -> memref<128xi32, #tpu.memory_space<vmem>>
      %dma_start3A_226 = arith.constant 0 : i32
      %dma_start3A_227 = tpu.memref_slice %arg10[%dma_start3A_226] : memref<100352xf32, #tpu.memory_space<vmem_shared>> -> memref<100352xf32, #tpu.memory_space<vmem_shared>>
      tpu.enqueue_indirect_dma source(%dma_start3A_222 : memref<128xf32, #tpu.memory_space<vmem>>) target(%dma_start3A_227 : memref<100352xf32, #tpu.memory_space<vmem_shared>>) offsets(%dma_start3A_225 : memref<128xi32, #tpu.memory_space<vmem>>) semaphore(%arg14 : memref<!tpu.dma_semaphore, #tpu.memory_space<semaphore_mem>>) {add = true}
      %add3A_228 = arith.constant 1 : i32
      %add3A_229 = arith.addi %mul3A_202, %add3A_228 : i32
      %dma_start3A_230 = arith.constant 0 : i32
      %dma_start3A_231 = tpu.memref_slice %arg6[%add3A_229, %dma_start3A_230] : memref<396x128xi32, #tpu.memory_space<vmem>> -> memref<1x128xi32, #tpu.memory_space<vmem>>
      %dma_start3A_232 = tpu.memref_squeeze %dma_start3A_231 : memref<1x128xi32, #tpu.memory_space<vmem>> -> memref<128xi32, #tpu.memory_space<vmem>>
      %dma_start3A_233 = arith.constant 0 : i32
      %dma_start3A_234 = tpu.memref_slice %arg11[%dma_start3A_233] : memref<100352xf32, #tpu.memory_space<vmem_shared>> -> memref<100352xf32, #tpu.memory_space<vmem_shared>>
      tpu.enqueue_indirect_dma source(%arg9 : memref<128xf32, #tpu.memory_space<vmem>>) target(%dma_start3A_234 : memref<100352xf32, #tpu.memory_space<vmem_shared>>) offsets(%dma_start3A_232 : memref<128xi32, #tpu.memory_space<vmem>>) semaphore(%arg15 : memref<!tpu.dma_semaphore, #tpu.memory_space<semaphore_mem>>) {add = true}
      %dma_wait3A_235 = arith.constant 0 : i32
      %dma_wait3A_236 = arith.constant 0 : i32
      %dma_wait3A_237 = tpu.memref_slice %arg7[%dma_wait3A_235, %dma_wait3A_236] : memref<396x128xf32, #tpu.memory_space<vmem>> -> memref<1x128xf32, #tpu.memory_space<vmem>>
      %dma_wait3A_238 = tpu.memref_squeeze %dma_wait3A_237 : memref<1x128xf32, #tpu.memory_space<vmem>> -> memref<128xf32, #tpu.memory_space<vmem>>
      %dma_wait3A_239 = arith.constant 0 : i32
      %dma_wait3A_240 = tpu.memref_slice %arg10[%dma_wait3A_239] : memref<100352xf32, #tpu.memory_space<vmem_shared>> -> memref<128xf32, #tpu.memory_space<vmem_shared>>
      %dma_wait3A_241 = arith.constant 0 : i32
      %dma_wait3A_242 = tpu.memref_slice %arg10[%dma_wait3A_241] : memref<100352xf32, #tpu.memory_space<vmem_shared>> -> memref<128xf32, #tpu.memory_space<vmem_shared>>
      %dma_wait3A_243 = arith.constant 0 : i32
      %dma_wait3A_244 = tpu.memref_slice %arg7[%dma_wait3A_235, %dma_wait3A_243] : memref<396x128xf32, #tpu.memory_space<vmem>> -> memref<1x128xf32, #tpu.memory_space<vmem>>
      %dma_wait3A_245 = tpu.memref_squeeze %dma_wait3A_244 : memref<1x128xf32, #tpu.memory_space<vmem>> -> memref<128xf32, #tpu.memory_space<vmem>>
      tpu.wait_dma2 semaphore(%arg12 : memref<!tpu.dma_semaphore, #tpu.memory_space<semaphore_mem>>) src(%dma_wait3A_245 : memref<128xf32, #tpu.memory_space<vmem>>) dst(%dma_wait3A_242 : memref<128xf32, #tpu.memory_space<vmem_shared>>)
      %dma_wait3A_246 = arith.constant 0 : i32
      %dma_wait3A_247 = arith.constant 0 : i32
      %dma_wait3A_248 = tpu.memref_slice %arg7[%dma_wait3A_246, %dma_wait3A_247] : memref<396x128xf32, #tpu.memory_space<vmem>> -> memref<1x128xf32, #tpu.memory_space<vmem>>
      %dma_wait3A_249 = tpu.memref_squeeze %dma_wait3A_248 : memref<1x128xf32, #tpu.memory_space<vmem>> -> memref<128xf32, #tpu.memory_space<vmem>>
      %dma_wait3A_250 = arith.constant 0 : i32
      %dma_wait3A_251 = tpu.memref_slice %arg10[%dma_wait3A_250] : memref<100352xf32, #tpu.memory_space<vmem_shared>> -> memref<128xf32, #tpu.memory_space<vmem_shared>>
      %dma_wait3A_252 = arith.constant 0 : i32
      %dma_wait3A_253 = tpu.memref_slice %arg10[%dma_wait3A_252] : memref<100352xf32, #tpu.memory_space<vmem_shared>> -> memref<128xf32, #tpu.memory_space<vmem_shared>>
      %dma_wait3A_254 = arith.constant 0 : i32
      %dma_wait3A_255 = tpu.memref_slice %arg7[%dma_wait3A_246, %dma_wait3A_254] : memref<396x128xf32, #tpu.memory_space<vmem>> -> memref<1x128xf32, #tpu.memory_space<vmem>>
      %dma_wait3A_256 = tpu.memref_squeeze %dma_wait3A_255 : memref<1x128xf32, #tpu.memory_space<vmem>> -> memref<128xf32, #tpu.memory_space<vmem>>
      tpu.wait_dma2 semaphore(%arg14 : memref<!tpu.dma_semaphore, #tpu.memory_space<semaphore_mem>>) src(%dma_wait3A_256 : memref<128xf32, #tpu.memory_space<vmem>>) dst(%dma_wait3A_253 : memref<128xf32, #tpu.memory_space<vmem_shared>>)
      %dma_wait3A_257 = arith.constant 0 : i32
      %dma_wait3A_258 = tpu.memref_slice %arg11[%dma_wait3A_257] : memref<100352xf32, #tpu.memory_space<vmem_shared>> -> memref<128xf32, #tpu.memory_space<vmem_shared>>
      %dma_wait3A_259 = arith.constant 0 : i32
      %dma_wait3A_260 = tpu.memref_slice %arg11[%dma_wait3A_259] : memref<100352xf32, #tpu.memory_space<vmem_shared>> -> memref<128xf32, #tpu.memory_space<vmem_shared>>
      tpu.wait_dma2 semaphore(%arg13 : memref<!tpu.dma_semaphore, #tpu.memory_space<semaphore_mem>>) src(%arg9 : memref<128xf32, #tpu.memory_space<vmem>>) dst(%dma_wait3A_260 : memref<128xf32, #tpu.memory_space<vmem_shared>>)
      %dma_wait3A_261 = arith.constant 0 : i32
      %dma_wait3A_262 = tpu.memref_slice %arg11[%dma_wait3A_261] : memref<100352xf32, #tpu.memory_space<vmem_shared>> -> memref<128xf32, #tpu.memory_space<vmem_shared>>
      %dma_wait3A_263 = arith.constant 0 : i32
      %dma_wait3A_264 = tpu.memref_slice %arg11[%dma_wait3A_263] : memref<100352xf32, #tpu.memory_space<vmem_shared>> -> memref<128xf32, #tpu.memory_space<vmem_shared>>
      tpu.wait_dma2 semaphore(%arg15 : memref<!tpu.dma_semaphore, #tpu.memory_space<semaphore_mem>>) src(%arg9 : memref<128xf32, #tpu.memory_space<vmem>>) dst(%dma_wait3A_264 : memref<128xf32, #tpu.memory_space<vmem_shared>>)
    }
    %scan3A_176 = arith.constant 0 : i32
    %scan3A_177 = arith.constant 0 : i32
    %scan3A_178 = arith.constant 4 : i32
    %scan3A_179 = arith.addi %scan3A_177, %scan3A_178 : i32
    %scan3A_180 = arith.constant 1 : i32
    scf.for %scan3A_200 = %scan3A_177 to %scan3A_179 step %scan3A_180  : i32 {
      %dma_wait3A_201 = arith.constant 0 : i32
      %dma_wait3A_202 = arith.constant 0 : i32
      %dma_wait3A_203 = tpu.memref_slice %arg7[%dma_wait3A_201, %dma_wait3A_202] : memref<396x128xf32, #tpu.memory_space<vmem>> -> memref<1x128xf32, #tpu.memory_space<vmem>>
      %dma_wait3A_204 = tpu.memref_squeeze %dma_wait3A_203 : memref<1x128xf32, #tpu.memory_space<vmem>> -> memref<128xf32, #tpu.memory_space<vmem>>
      %dma_wait3A_205 = arith.constant 0 : i32
      %dma_wait3A_206 = tpu.memref_slice %arg10[%dma_wait3A_205] : memref<100352xf32, #tpu.memory_space<vmem_shared>> -> memref<128xf32, #tpu.memory_space<vmem_shared>>
      %dma_wait3A_207 = arith.constant 0 : i32
      %dma_wait3A_208 = tpu.memref_slice %arg10[%dma_wait3A_207] : memref<100352xf32, #tpu.memory_space<vmem_shared>> -> memref<128xf32, #tpu.memory_space<vmem_shared>>
      %dma_wait3A_209 = arith.constant 0 : i32
      %dma_wait3A_210 = tpu.memref_slice %arg7[%dma_wait3A_201, %dma_wait3A_209] : memref<396x128xf32, #tpu.memory_space<vmem>> -> memref<1x128xf32, #tpu.memory_space<vmem>>
      %dma_wait3A_211 = tpu.memref_squeeze %dma_wait3A_210 : memref<1x128xf32, #tpu.memory_space<vmem>> -> memref<128xf32, #tpu.memory_space<vmem>>
      tpu.wait_dma2 semaphore(%arg12 : memref<!tpu.dma_semaphore, #tpu.memory_space<semaphore_mem>>) src(%dma_wait3A_211 : memref<128xf32, #tpu.memory_space<vmem>>) dst(%dma_wait3A_208 : memref<128xf32, #tpu.memory_space<vmem_shared>>)
      %dma_wait3A_212 = arith.constant 0 : i32
      %dma_wait3A_213 = arith.constant 0 : i32
      %dma_wait3A_214 = tpu.memref_slice %arg7[%dma_wait3A_212, %dma_wait3A_213] : memref<396x128xf32, #tpu.memory_space<vmem>> -> memref<1x128xf32, #tpu.memory_space<vmem>>
      %dma_wait3A_215 = tpu.memref_squeeze %dma_wait3A_214 : memref<1x128xf32, #tpu.memory_space<vmem>> -> memref<128xf32, #tpu.memory_space<vmem>>
      %dma_wait3A_216 = arith.constant 0 : i32
      %dma_wait3A_217 = tpu.memref_slice %arg10[%dma_wait3A_216] : memref<100352xf32, #tpu.memory_space<vmem_shared>> -> memref<128xf32, #tpu.memory_space<vmem_shared>>
      %dma_wait3A_218 = arith.constant 0 : i32
      %dma_wait3A_219 = tpu.memref_slice %arg10[%dma_wait3A_218] : memref<100352xf32, #tpu.memory_space<vmem_shared>> -> memref<128xf32, #tpu.memory_space<vmem_shared>>
      %dma_wait3A_220 = arith.constant 0 : i32
      %dma_wait3A_221 = tpu.memref_slice %arg7[%dma_wait3A_212, %dma_wait3A_220] : memref<396x128xf32, #tpu.memory_space<vmem>> -> memref<1x128xf32, #tpu.memory_space<vmem>>
      %dma_wait3A_222 = tpu.memref_squeeze %dma_wait3A_221 : memref<1x128xf32, #tpu.memory_space<vmem>> -> memref<128xf32, #tpu.memory_space<vmem>>
      tpu.wait_dma2 semaphore(%arg14 : memref<!tpu.dma_semaphore, #tpu.memory_space<semaphore_mem>>) src(%dma_wait3A_222 : memref<128xf32, #tpu.memory_space<vmem>>) dst(%dma_wait3A_219 : memref<128xf32, #tpu.memory_space<vmem_shared>>)
      %dma_wait3A_223 = arith.constant 0 : i32
      %dma_wait3A_224 = tpu.memref_slice %arg11[%dma_wait3A_223] : memref<100352xf32, #tpu.memory_space<vmem_shared>> -> memref<128xf32, #tpu.memory_space<vmem_shared>>
      %dma_wait3A_225 = arith.constant 0 : i32
      %dma_wait3A_226 = tpu.memref_slice %arg11[%dma_wait3A_225] : memref<100352xf32, #tpu.memory_space<vmem_shared>> -> memref<128xf32, #tpu.memory_space<vmem_shared>>
      tpu.wait_dma2 semaphore(%arg13 : memref<!tpu.dma_semaphore, #tpu.memory_space<semaphore_mem>>) src(%arg9 : memref<128xf32, #tpu.memory_space<vmem>>) dst(%dma_wait3A_226 : memref<128xf32, #tpu.memory_space<vmem_shared>>)
      %dma_wait3A_227 = arith.constant 0 : i32
      %dma_wait3A_228 = tpu.memref_slice %arg11[%dma_wait3A_227] : memref<100352xf32, #tpu.memory_space<vmem_shared>> -> memref<128xf32, #tpu.memory_space<vmem_shared>>
      %dma_wait3A_229 = arith.constant 0 : i32
      %dma_wait3A_230 = tpu.memref_slice %arg11[%dma_wait3A_229] : memref<100352xf32, #tpu.memory_space<vmem_shared>> -> memref<128xf32, #tpu.memory_space<vmem_shared>>
      tpu.wait_dma2 semaphore(%arg15 : memref<!tpu.dma_semaphore, #tpu.memory_space<semaphore_mem>>) src(%arg9 : memref<128xf32, #tpu.memory_space<vmem>>) dst(%dma_wait3A_230 : memref<128xf32, #tpu.memory_space<vmem_shared>>)
    }
    %scan3A_181 = arith.constant 4 : i32
    %barrier3A_182 = arith.constant 0 : index
    tpu.barrier barrier_id(%barrier3A_182)
    %mul3A_183 = arith.constant 100352 : i32
    %mul3A_184 = arith.muli %arg0, %mul3A_183 : i32
    %mul3A_185 = arith.constant 6272 : i32
    %mul3A_186 = arith.muli %arg1, %mul3A_185 : i32
    %add3A_187 = arith.addi %mul3A_184, %mul3A_186 : i32
    %mul3A_188 = arith.constant 6272 : i32
    %mul3A_189 = arith.muli %arg1, %mul3A_188 : i32
    %dma_start3A_190 = tpu.memref_slice %arg4[%add3A_187] : memref<200704xf32, #tpu.memory_space<hbm>> -> memref<6272xf32, #tpu.memory_space<hbm>>
    %dma_start3A_191 = tpu.memref_slice %arg10[%mul3A_189] : memref<100352xf32, #tpu.memory_space<vmem_shared>> -> memref<6272xf32, #tpu.memory_space<vmem_shared>>
    tpu.enqueue_dma source(%dma_start3A_191 : memref<6272xf32, #tpu.memory_space<vmem_shared>>) target(%dma_start3A_190 : memref<6272xf32, #tpu.memory_space<hbm>>) target_semaphore(%arg12 : memref<!tpu.dma_semaphore, #tpu.memory_space<semaphore_mem>>)
    %mul3A_192 = arith.constant 6272 : i32
    %mul3A_193 = arith.muli %arg1, %mul3A_192 : i32
    %dma_start3A_194 = tpu.memref_slice %arg5[%add3A_187] : memref<200704xf32, #tpu.memory_space<hbm>> -> memref<6272xf32, #tpu.memory_space<hbm>>
    %dma_start3A_195 = tpu.memref_slice %arg11[%mul3A_193] : memref<100352xf32, #tpu.memory_space<vmem_shared>> -> memref<6272xf32, #tpu.memory_space<vmem_shared>>
    tpu.enqueue_dma source(%dma_start3A_195 : memref<6272xf32, #tpu.memory_space<vmem_shared>>) target(%dma_start3A_194 : memref<6272xf32, #tpu.memory_space<hbm>>) target_semaphore(%arg13 : memref<!tpu.dma_semaphore, #tpu.memory_space<semaphore_mem>>)
    %dma_wait3A_196 = tpu.memref_slice %arg4[%add3A_187] : memref<200704xf32, #tpu.memory_space<hbm>> -> memref<6272xf32, #tpu.memory_space<hbm>>
    %dma_wait3A_197 = tpu.memref_slice %arg10[%mul3A_189] : memref<100352xf32, #tpu.memory_space<vmem_shared>> -> memref<6272xf32, #tpu.memory_space<vmem_shared>>
    tpu.wait_dma2 semaphore(%arg12 : memref<!tpu.dma_semaphore, #tpu.memory_space<semaphore_mem>>) src(%dma_wait3A_197 : memref<6272xf32, #tpu.memory_space<vmem_shared>>) dst(%dma_wait3A_196 : memref<6272xf32, #tpu.memory_space<hbm>>)
    %dma_wait3A_198 = tpu.memref_slice %arg5[%add3A_187] : memref<200704xf32, #tpu.memory_space<hbm>> -> memref<6272xf32, #tpu.memory_space<hbm>>
    %dma_wait3A_199 = tpu.memref_slice %arg11[%mul3A_193] : memref<100352xf32, #tpu.memory_space<vmem_shared>> -> memref<6272xf32, #tpu.memory_space<vmem_shared>>
    tpu.wait_dma2 semaphore(%arg13 : memref<!tpu.dma_semaphore, #tpu.memory_space<semaphore_mem>>) src(%dma_wait3A_199 : memref<6272xf32, #tpu.memory_space<vmem_shared>>) dst(%dma_wait3A_198 : memref<6272xf32, #tpu.memory_space<hbm>>)
    return
  }
}

module attributes {stable_mosaic.version = 14 : i64} {
  func.func @_combine_body(%arg0: memref<100000xf32, #tpu.memory_space<vmem>>, %arg1: memref<200704xf32, #tpu.memory_space<vmem>>, %arg2: memref<200704xf32, #tpu.memory_space<vmem>>, %arg3: memref<100000xf32, #tpu.memory_space<vmem>>) attributes {dimension_semantics = [], scalar_prefetch = 0 : i64, scratch_operands = 0 : i64, tpu.core_type = #tpu.core_type<tc>} {
    %get3A = arith.constant 0 : index
    %get3A_0 = vector.load %arg1[%get3A] : memref<200704xf32, #tpu.memory_space<vmem>>, vector<100000xf32>
    %get3A_1 = arith.constant 100352 : index
    %get3A_2 = vector.load %arg1[%get3A_1] : memref<200704xf32, #tpu.memory_space<vmem>>, vector<100000xf32>
    %add3A = arith.addf %get3A_0, %get3A_2 : vector<100000xf32>
    %get3A_3 = arith.constant 0 : index
    %get3A_4 = vector.load %arg2[%get3A_3] : memref<200704xf32, #tpu.memory_space<vmem>>, vector<100000xf32>
    %get3A_5 = arith.constant 100352 : index
    %get3A_6 = vector.load %arg2[%get3A_5] : memref<200704xf32, #tpu.memory_space<vmem>>, vector<100000xf32>
    %add3A_7 = arith.addf %get3A_4, %get3A_6 : vector<100000xf32>
    %get3A_8 = arith.constant 0 : index
    %get3A_9 = vector.load %arg0[%get3A_8] : memref<100000xf32, #tpu.memory_space<vmem>>, vector<100000xf32>
    %max3A = arith.constant 1.000000e+00 : f32
    %max3A_10 = vector.broadcast %max3A : f32 to vector<100000xf32>
    %max3A_11 = arith.maximumf %add3A_7, %max3A_10 : vector<100000xf32>
    %div3A = arith.divf %add3A, %max3A_11 : vector<100000xf32>
    %add3A_12 = arith.addf %get3A_9, %div3A : vector<100000xf32>
    %swap3A = arith.constant 0 : index
    %swap3A_13 = vector.load %arg3[%swap3A] : memref<100000xf32, #tpu.memory_space<vmem>>, vector<100000xf32>
    tpu.vector_store %arg3[%swap3A], %add3A_12 {strides = array<i32>} : memref<100000xf32, #tpu.memory_space<vmem>>, vector<100000xf32>,
    return
  }
}

</mosaic_0001>

<sc_bundles>
// kernel: kernel.4.cloned.1.call-start
scs
__scs_entry_jumppad:
0x0: {  	(pc) =	sbr.rel $0x88, $3  }
0x1: {  	(tag) =	ssettag $0x0;
	lr =	simm.s32 $0x1  }
0x2: {  	[smem:$0x3F9E] =	sst lr;
	_ =	strace $0xD0000000  }
0x3: {  	_ = 	snop  }
0x4: {  	_ = 	snop  }
0x5: {  	_ = 	snop  }
0x6: {  	_ = 	snop  }
0x7: {  	_ = 	snop  }
__scs_overlays_trampoline_lowered:
0x8: {  	[smem:$0x3FAD] =	sst s0  }
0x9: {  	[smem:$0x3FAE] =	sst s1  }
0xa: {  	[smem:$0x3FAF] =	sst s2  }
0xb: {  	[smem:$0x3FB0] =	sst s3  }
0xc: {  	[smem:$0x3FB1] =	sst s4  }
0xd: {  	[smem:$0x3FB2] =	sst s5  }
0xe: {  	[smem:$0x3FB3] =	sst s6  }
0xf: {  	[smem:$0x3FB4] =	sst s7  }
0x10: {  	[smem:$0x3FB5] =	sst s8  }
0x11: {  	[smem:$0x3FB6] =	sst s9;
	s0 =	simm.s32 @!p0 $0x0  }
0x12: {  	s1 =	sld [smem:$0x3F9C];
	s0 =	simm.s32 @p0 $0x1  }
0x13: {  	[smem:$0x3FB7] =	sst s0;
	s0 =	simm.s32 @!p1 $0x0  }
0x14: {  	s2 =	sld [smem:$0x3F9B];
	s0 =	simm.s32 @p1 $0x1  }
0x15: {  	[smem:$0x3FB8] =	sst s0;
	s0 =	simm.s32 @!p2 $0x0  }
0x16: {  	s3 =	sld [smem:$0x3FDB];
	s0 =	simm.s32 @p2 $0x1  }
0x17: {  	s4 =	simm.s32 $0x1BF5;
	[smem:$0x3FBA] =	sst s0  }
0x18: {  	s0 =	sld [smem:$0x3F9D];
	_ =	swait.ge [sflag:s4], $0x0  }
0x19: {  	s7 =	sld [smem:$0x3F9E]  }
0x1a: {  	s8 =	sadd.s32 $0xFFFFE003, lr  }
0x1b: {  	s9 =	sadd.s32 $0xFFFFFEF7, lr;
	s5 =	simm.s32 $0xFFFFFFFF;
	p2 =	slt.u32 s8, $0xFFFFF086  }
0x1c: {  	p1 =	slt.u32 s9, $0xF7A;
	s5 =	simm.s32 @!p2 $0x0  }
0x1d: {  	s5 =	simm.s32 @p1 $0x1;
	p0 =	seq.s32 s7, s2  }
0x1e: {  	s7 =	smul.u32 @!p0 $0xF7A, s2;
	p2 =	seq.s32 @!p0 s5, $0x0  }
0x1f: {  	s9 =	smul.u32 $0xF7A, s1;
	s8 =	simm.s32 @!p0 $0x1BF5;
	p2 =	por !p2, p0  }
0x20: {  	[sflag:s8] =	ssyncset.s32 @!p0 $0xFFFFF086;
	s6 =	sadd.s32 @!p0 s3, s7;
	s7 =	simm.s32 @!p0 $0x108  }
0x21: {  	s3 =	sadd.s32 s3, s9;
	s6 =	sadd.s32 @!p0 $0x88, s6;
	s7 =	simm.s32 @p2 $0x1082  }
0x22: {  	[simem:s7], [sflag:s8] =	dma.local @!p0 [hbm:s6], $0xF7A  }
0x23: {  	s9 =	sor.u32 $0xD0000000, s2;
	s6 =	simm.s32 $0x108;
	_ =	swait.ge @!p0 [sflag:s8], $0x0  }
0x24: {  	s3 =	sadd.s32 $0x88, s3;
	s6 =	simm.s32 @!p1 $0x1082;
	[sflag:s4] =	ssyncset.s32 $0xFFFFF086  }
0x25: {  	[simem:s6], [sflag:s4] =	dma.local [hbm:s3], $0xF7A  }
0x26: {  	[smem:$0x3F9E] =	sst s1;
	(tag) =	ssettag s2;
	_ =	strace s9  }
0x27: {  	s1 =	sld [smem:$0x3FAE]  }
0x28: {  	s2 =	sld [smem:$0x3FAF]  }
0x29: {  	s4 =	sld [smem:$0x3FB1]  }
0x2a: {  	p0 =	seq.s32 s5, $0x0;
	s5 =	sld [smem:$0x3FB2]  }
0x2b: {  	s6 =	sld [smem:$0x3FB3]  }
0x2c: {  	s7 =	sld [smem:$0x3FB4]  }
0x2d: {  	s3 =	simm.s32 $0x108;
	s8 =	sld [smem:$0x3FB5]  }
0x2e: {  	s3 =	simm.s32 @!p0 $0x1082;
	s9 =	sld [smem:$0x3FB6]  }
0x2f: {  	lr =	sadd.s32 s0, s3;
	s0 =	sld [smem:$0x3FAD]  }
0x30: {  	s3 =	sld [smem:$0x3FB0]  }
0x31: {  	[smem:$0x3FB9] =	sst s10  }
0x32: {  	s10 =	sld [smem:$0x3FB7];
	_ =	sdelay $0x3  }
0x33: {  	p0 =	seq.s32 s10, $0x1;
	s10 =	sld [smem:$0x3FB9];
	_ =	sdelay $0x3  }
0x34: {  	[smem:$0x3FB9] =	sst s10  }
0x35: {  	s10 =	sld [smem:$0x3FB8];
	_ =	sdelay $0x3  }
0x36: {  	p1 =	seq.s32 s10, $0x1;
	s10 =	sld [smem:$0x3FB9];
	_ =	sdelay $0x3  }
0x37: {  	[smem:$0x3FB9] =	sst s10  }
0x38: {  	s10 =	sld [smem:$0x3FBA]  }
0x39: {  	_ = 	snop;
	(pc) =	sbr.ind lr, $3  }
0x3a: {  	_ = 	snop  }
0x3b: {  	_ = 	snop  }
0x3c: {  	p2 =	seq.s32 s10, $0x1;
	s10 =	sld [smem:$0x3FB9]  }
0x3d: {  	_ =	shalt  }
0x3e: {  	_ =	shalt  }
0x3f: {  	_ =	shalt  }
0x40: {  	_ =	shalt  }
0x41: {  	_ =	shalt  }
0x42: {  	_ =	shalt  }
0x43: {  	_ =	shalt  }
0x44: {  	_ =	shalt  }
0x45: {  	_ =	shalt  }
0x46: {  	_ =	shalt  }
0x47: {  	_ =	shalt  }
0x48: {  	_ =	shalt  }
0x49: {  	_ =	shalt  }
0x4a: {  	_ =	shalt  }
0x4b: {  	_ =	shalt  }
0x4c: {  	_ =	shalt  }
0x4d: {  	_ =	shalt  }
0x4e: {  	_ =	shalt  }
0x4f: {  	_ =	shalt  }
0x50: {  	_ =	shalt  }
0x51: {  	_ =	shalt  }
0x52: {  	_ =	shalt  }
0x53: {  	_ =	shalt  }
0x54: {  	_ =	shalt  }
0x55: {  	_ =	shalt  }
0x56: {  	_ =	shalt  }
0x57: {  	_ =	shalt  }
0x58: {  	_ =	shalt  }
0x59: {  	_ =	shalt  }
0x5a: {  	_ =	shalt  }
0x5b: {  	_ =	shalt  }
0x5c: {  	_ =	shalt  }
0x5d: {  	_ =	shalt  }
0x5e: {  	_ =	shalt  }
0x5f: {  	_ =	shalt  }
0x60: {  	_ =	shalt  }
0x61: {  	_ =	shalt  }
0x62: {  	_ =	shalt  }
0x63: {  	_ =	shalt  }
0x64: {  	_ =	shalt  }
0x65: {  	_ =	shalt  }
0x66: {  	_ =	shalt  }
0x67: {  	_ =	shalt  }
0x68: {  	_ =	shalt  }
0x69: {  	_ =	shalt  }
0x6a: {  	_ =	shalt  }
0x6b: {  	_ =	shalt  }
0x6c: {  	_ =	shalt  }
0x6d: {  	_ =	shalt  }
0x6e: {  	_ =	shalt  }
0x6f: {  	_ =	shalt  }
0x70: {  	_ =	shalt  }
0x71: {  	_ =	shalt  }
0x72: {  	_ =	shalt  }
0x73: {  	_ =	shalt  }
0x74: {  	_ =	shalt  }
0x75: {  	_ =	shalt  }
0x76: {  	_ =	shalt  }
0x77: {  	_ =	shalt  }
0x78: {  	_ =	shalt  }
0x79: {  	_ =	shalt  }
0x7a: {  	_ =	shalt  }
0x7b: {  	_ =	shalt  }
0x7c: {  	_ =	shalt  }
0x7d: {  	_ =	shalt  }
0x7e: {  	_ =	shalt  }
0x7f: {  	_ =	shalt  }
0x80: {  	_ =	shalt  }
0x81: {  	_ =	shalt  }
0x82: {  	_ =	shalt  }
0x83: {  	_ =	shalt  }
0x84: {  	_ =	shalt  }
0x85: {  	_ =	shalt  }
0x86: {  	_ =	shalt  }
0x87: {  	_ =	shalt  }
.Lfunc_end0:
.L_simem_size_0:
called_computation_lowered:
.L_overlay_start_0:
0x88: {  	s2 =	sld [smem:$0x3FD9]  }
0x89: {  	s3 =	sld [smem:$0x3FFE];
	_ =	sdelay $0x1  }
0x8a: {  	s1 =	srdreg.scid  }
0x8b: {  	s0 =	sand.u32 $0x1, s1  }
0x8c: {  	s17 =	sshll.u32 s0, $0xA;
	s2 =	sadd.s32 s3, s2  }
0x8d: {  	s2 =	sadd.s32 s2, s17  }
0x8e: {  	[smem:$0x3FC5] =	sst s2  }
0x8f: {  	_ = 	snop  }
0x90: {  	s2 =	sld [smem:$0x3FC8]  }
0x91: {  	s18 =	sld [smem:$0x3FC7];
	(tm) =	ssettm $0x1  }
0x92: {  	s4 =	sld [smem:$0x3FFB];
	_ =	sdelay $0x3  }
0x93: {  	_ =	strace s4  }
0x94: {  	s4 =	sld [smem:$0x3FFC];
	_ =	sdelay $0x3  }
0x95: {  	_ =	strace s4  }
0x96: {  	s4 =	sld [smem:$0x3FFD];
	_ =	sdelay $0x3  }
0x97: {  	_ =	strace s4  }
0x98: {  	_ =	strace $0x8FFFFFFF  }
0x99: {  	s19 =	sld [smem:$0x3FDB];
	_ =	sdelay $0x1  }
0x9a: {  	s5 =	simm.s32 $_scs_section_size  }
0x9b: {  	s6 =	simm.s32 $_size__tile_overlayer_lowered;
	s7 =	simm.s32 $_tile_overlayer_lowered  }
0x9c: {  	s22 =	simm.s32 $0x1BFF;
	s21 =	sshll.u32 s7, $0x1;
	s4 =	sadd.s32 s5, s19  }
0x9d: {  	s8 =	simm.s32 $0x0;
	s20 =	sshll.u32 s6, $0x1;
	s6 =	sadd.s32 s21, s4  }
0x9e: {  	[timem:s8], [sflag:s22] =	dma.local [hbm:s6], s20  }
0x9f: {  	_ =	swait.ge [sflag:s22], s20  }
0xa0: {  	s5 =	ssub.s32 $0x0, s20;
	[sflag:s22] =	ssyncset.done $0x0  }
0xa1: {  	[sflag:s22] =	ssyncadd.s32 s5;
	_ =	sdelay $0x1  }
0xa2: {  	s23 =	simm.s32 $0x1B8B  }
0xa3: {  	_ =	swait.ge [sflag:s23], $0x1  }
0xa4: {  	[sflag:s23] =	ssyncset.done $0x0  }
0xa5: {  	s25 =	simm.s32 $0x1B8E;
	s24 =	sld [smem:$0x3FFE];
	[sflag:s23] =	ssyncadd.s32 $0xFFFFFFFF  }
0xa6: {  	s26 =	simm.s32 $execute0_lowered;
	[smem:$0x3FD2] =	sst s25  }
0xa7: {  	s6 =	sshll.u32 s26, $0x1;
	_ =	strace $0x80000046;
	[dreg:$0x1] =	wrdreg $0xFFFFFFFF  }
0xa8: {  	s28 =	simm.s32 $_size_execute0_lowered;
	s4 =	sadd.s32 s4, s6;
	[dreg:$0x0] =	wrdreg $0x0  }
0xa9: {  	s6 =	sshll.u32 s28, $0x1;
	[dreg:$0x2] =	wrdreg s4  }
0xaa: {  	[dreg:$0x3] =	wrdreg s6  }
0xab: {  	[dreg:$0x4] =	wrdreg $0xC0  }
0xac: {  	_ =	task [dreg:s8], $0x5FFFF  }
0xad: {  	[dreg:$0x1] =	wrdreg $0xFFFFFFFF  }
0xae: {  	[dreg:$0x0] =	wrdreg $0x60  }
0xaf: {  	[dreg:$0x2] =	wrdreg s18  }
0xb0: {  	[dreg:$0x3] =	wrdreg s2  }
0xb1: {  	[dreg:$0x4] =	wrdreg s24  }
0xb2: {  	[dreg:$0x5] =	wrdreg $0x1A9000  }
0xb3: {  	[dreg:$0x6] =	wrdreg $0x1C1800  }
0xb4: {  	[dreg:$0x7] =	wrdreg $0x9  }
0xb5: {  	_ =	task.clear_ibuf [dreg:s8], $0x8FFFF;
	_ =	strace $0x90000046  }
0xb6: {  	s29 =	simm.s32 $0x9;
	_ =	strace $0x80000048  }
0xb7: {  	_ =	swait.ge [sflag:s29], $0x1  }
0xb8: {  	[sflag:s29] =	ssyncadd.s32 $0xFFFFFFFF  }
0xb9: {  	_ =	strace $0x90000048  }
0xba: {  	_ =	sfence  }
0xbb: {  	s30 =	sld [smem:$0x0];
	_ =	sdelay $0x2  }
0xbc: {  	s31 =	sshll.u32 s1, $0xD;
	s1 =	sshrl.u32 s1, $0x2  }
0xbd: {  	s3 =	sand.u32 $0x4000, s31;
	s1 =	sadd.s32 s1, s30  }
0xbe: {  	s0 =	sor.u32 s3, s0;
	s1 =	sshll.u32 s1, $0x11  }
0xbf: {  	s0 =	sor.u32 s1, s0  }
0xc0: {  	s0 =	sadd.s32 $0x8F2B, s0  }
0xc1: {  	[sflag:s0] =	ssyncadd.remote.s32 $0x1  }
0xc2: {  	_ =	sfence.sel $0xFFFF  }
0xc3: {  	[dreg:$0x0] =	wrdreg $0xFFFFFFFF;
	(pc) =	sbr.abs _section_cstart, $3  }
0xc4: {  	[dreg:$0x1] =	wrdreg $0xFFFFFFFF  }
0xc5: {  	_ =	task.clear_ibuf [dreg:s8], $0x2FFFF;
	_ =	strace $0x9FFFFFFF  }
0xc6: {  	(tm) =	ssettm $0x7FFFFFFF  }
0xc7: {  	_ =	shalt  }
tec
execute0_lowered:
.L_overlay_start_1:
0x0: {  	(tag) =	ssettag $0x1  }
0x1: {  	s0 =	rddreg [dreg:$0x0]  }
0x2: {  	s1 =	rddreg [dreg:$0x1]  }
0x3: {  	s5 =	rddreg [dreg:$0x2]  }
0x4: {  	s2 =	rddreg [dreg:$0x3]  }
0x5: {  	s3 =	rddreg [dreg:$0x4];
	s6 =	srdreg.scid  }
0x6: {  	s9 =	stileid.u32;
	s4 =	simm.s32 $0x0;
	s13 =	simm.s32 $0xC0  }
0x7: {  	s18 =	simm.s32 $0x19000;
	s19 =	simm.s32 $0x3;
	s20 =	simm.s32 $0x4  }
0x8: {  	s21 =	simm.s32 $0x2;
	s29 =	simm.s32 $0x180;
	s31 =	simm.s32 $0x200  }
0x9: {  	s28 =	simm.s32 $0x300;
	s30 =	simm.s32 $0x0;
	s6 =	sand.u32 $0x1, s6  }
0xa: {  	s12 =	smul.u32 $0x1880, s9;
	[smem:$0x7FF] =	sst s4;
	s10 =	sadd.s32 $0x30D00, s1  }
0xb: {  	s7 =	smul.u32 $0x18800, s6;
	s8 =	sshll.u32 s6, $0x4;
	s6 =	ssub.s32 $0x2, s6  }
0xc: {  	_ =	strace $0x80000047;
	s17 =	sor.u32 s9, s8;
	s22 =	sshrl.u32 s6, $0x1  }
0xd: {  	s11 =	sadd.s32 s12, s2;
	s7 =	sadd.s32 s12, s7;
	s8 =	smin.u32 s17, $0x1A  }
0xe: {  	s9 =	smul.u32 $0x1800, s17;
	s6 =	ssub.s32 s6, s22;
	p0 =	slt.u32 s17, $0x1A  }
0xf: {  	s12 =	sadd.s32 s12, s3;
	s22 =	simm.s32 $0x1;
	s7 =	sshrl.u32 s7, $0x3  }
0x10: {  	s8 =	sshll.u32 s8, $0x7;
	s13 =	simm.s32 @!p0 $0xBC;
	p0 =	sgt.u32 s17, $0x19  }
0x11: {  	s16 =	smax.u32 s6, $0x1;
	s5 =	sadd.s32 s7, s5;
	s8 =	sadd.s32 s9, s8  }
0x12: {  	p2 =	sne.s32 @!p0 s17, $0x0;
	s17 =	simm.s32 $0xC800;
	s23 =	sadd.s32 s0, s8  }
0x13: {  	s9 =	sadd.s32 $0x1800, s8;
	s24 =	sadd.s32 s1, s8;
	s14 =	sadd.s32 $0xE00, s5  }
0x14: {  	s15 =	sadd.s32 $0x7000, s5;
	p1 =	por p2, p0;
	[dreg:$0x6] =	wrdreg s23  }
0x15: {  	p2 =	por !p2, p0;
	[dreg:$0x7] =	wrdreg s24;
	s25 =	sadd.s32 s0, s9  }
0x16: {  	s26 =	sadd.s32 s1, s9;
	s9 =	sadd.s32 $0x30D00, s0;
	s23 =	simm.s32 $0x80  }
0x17: {  	s24 =	simm.s32 $0x1A880;
	s1 =	simm.s32 $0x280;
	[dreg:$0x8] =	wrdreg s25  }
0x18: {  	v0 =	vimm.f32 $0.0e+00;
	v1 =	vimm.f32 $1.000000000e+00;
	s0 =	simm.s32 $0x380;
	[dreg:$0x9] =	wrdreg s26;
	s26 =	simm.s32 $0x100  }
.LBB2_1:
0x19: {  	s5 =	rddreg [dreg:$0x6]  }
0x1a: {  	[tilespmem:s4], [sflag:$0x1] =	stream.linear.gather [hbm4b:s5+s4], $0xC000, $0x38;
	[tilespmem:$0x1DA00] =	vst v63  }
0x1b: {  	s25 =	rddreg [dreg:$0x7]  }
0x1c: {  	[tilespmem:s17], [sflag:$0x1] =	stream.linear.gather [hbm4b:s25+s4], $0xC000, $0x38;
	[tilespmem:$0x1DA00] =	vst v63  }
0x1d: {  	s6 =	simm.s32 @!p0 $0xC000;
	s7 =	rddreg [dreg:$0x8];
	s5 =	simm.s32 @!p0 $0x0  }
0x1e: {  	[tilespmem:s6], [sflag:$0x2] =	stream.linear.gather @!p0 [hbm4b:s7+s5], $0x400, $0x38;
	[tilespmem:$0x1DA00] =	vst v63  }
0x1f: {  	p3 =	por @!p0 $0x0, $0x0;
	s6 =	simm.s32 @!p0 $0x18800;
	s7 =	rddreg [dreg:$0x9]  }
0x20: {  	[tilespmem:s6], [sflag:$0x2] =	stream.linear.gather @!p0 [hbm4b:s7+s5], $0x400, $0x38;
	[tilespmem:$0x1DA00] =	vst v63  }
0x21: {  	p4 =	por @!p1 $0x1, $0x1;
	s5 =	simm.s32 @!p1 $0x0;
	s6 =	simm.s32 @!p1 $0xC400  }
0x22: {  	[tilespmem:s6], [sflag:$0x2] =	stream.linear.gather @!p1 [hbm4b:s9+s5], $0x200, $0x38;
	[tilespmem:$0x1DA00] =	vst v63  }
0x23: {  	p4 =	por @!p2 p3, p3;
	p3 =	por $0x0, $0x0;
	s6 =	simm.s32 @!p1 $0x18C00  }
0x24: {  	[tilespmem:s6], [sflag:$0x2] =	stream.linear.gather @!p1 [hbm4b:s10+s5], $0x200, $0x38;
	[tilespmem:$0x1DA00] =	vst v63  }
0x25: {  	p3 =	por @!p0 p4, p4;
	s5 =	simm.s32 $0x0;
	s6 =	simm.s32 $0x200  }
.LBB2_2:
0x26: {  	p4 =	sne.s32 s6, $0x6000;
	[tilespmem:s5+$0x19070] =	vst v0  }
0x27: {  	[tilespmem:s5+$0x19000] =	vst v0  }
0x28: {  	[tilespmem:s5+$0x19010] =	vst v0  }
.Ltmp0:
0x29: {  	[tilespmem:s5+$0x19020] =	vst v0;
	(pc) =	sbr.rel @p4 .LBB2_2-.Ltmp0, $4  }
0x2a: {  	[tilespmem:s5+$0x19030] =	vst v0  }
0x2b: {  	[tilespmem:s5+$0x19040] =	vst v0  }
0x2c: {  	[tilespmem:s5+$0x19050] =	vst v0  }
0x2d: {  	[tilespmem:s5+$0x19060] =	vst v0;
	s5 =	sshra.s32 s6, $0x2;
	s6 =	sadd.s32 $0x200, s6  }
0x2e: {  	[tilespmem:s5+$0x19070] =	vst v0  }
0x2f: {  	[tilespmem:s5+$0x19000] =	vst v0  }
0x30: {  	[tilespmem:s5+$0x19010] =	vst v0  }
0x31: {  	[tilespmem:s5+$0x19020] =	vst v0  }
0x32: {  	[tilespmem:s5+$0x19030] =	vst v0  }
0x33: {  	[tilespmem:s5+$0x19040] =	vst v0  }
0x34: {  	[tilespmem:s5+$0x19050] =	vst v0  }
0x35: {  	[tilespmem:s5+$0x19060] =	vst v0  }
0x36: {  	[spmem:s11] =	stream.linear.scatter [tilespmem:s18], [sflag:$0x3], $0x1880, $0x38;
	[tilespmem:$0x1DA00] =	vst v63  }
0x37: {  	_ = 	snop  }
0x38: {  	[spmem:s12] =	stream.linear.scatter [tilespmem:s18], [sflag:$0x4], $0x1880, $0x38;
	[tilespmem:$0x1DA00] =	vst v63  }
0x39: {  	_ =	swait.ge [sflag:s19], $0x1880  }
0x3a: {  	[sflag:s19] =	ssyncset.done $0x0  }
0x3b: {  	[sflag:s19] =	ssyncadd.s32 $0xFFFFE780  }
0x3c: {  	_ =	swait.ge [sflag:s20], $0x1880  }
0x3d: {  	[sflag:s20] =	ssyncset.done $0x0  }
0x3e: {  	[sflag:s20] =	ssyncadd.s32 $0xFFFFE780  }
0x3f: {  	[tilespmem:$0x1A880] =	vst v1  }
0x40: {  	[tilespmem:$0x1A890] =	vst v1  }
0x41: {  	[tilespmem:$0x1A8A0] =	vst v1  }
0x42: {  	[tilespmem:$0x1A8B0] =	vst v1  }
0x43: {  	[tilespmem:$0x1A8C0] =	vst v1  }
0x44: {  	[tilespmem:$0x1A8D0] =	vst v1  }
0x45: {  	[tilespmem:$0x1A8E0] =	vst v1  }
0x46: {  	[tilespmem:$0x1A8F0] =	vst v1  }
0x47: {  	_ =	swait.ge [sflag:s22], $0xC000  }
0x48: {  	[sflag:s22] =	ssyncset.done $0x0  }
0x49: {  	[sflag:s22] =	ssyncadd.s32 $0xFFFF4000  }
0x4a: {  	_ =	swait.ge [sflag:s22], $0xC000  }
0x4b: {  	[sflag:s22] =	ssyncset.done $0x0  }
0x4c: {  	s5 =	simm.s32 @!p0 $0x2;
	[sflag:s22] =	ssyncadd.s32 $0xFFFF4000  }
0x4d: {  	_ =	swait.ge @!p0 [sflag:s5], $0x400  }
0x4e: {  	[sflag:s5] =	ssyncset.done @!p0 $0x0  }
0x4f: {  	[sflag:s5] =	ssyncadd.s32 @!p0 $0xFFFFFC00  }
0x50: {  	_ =	swait.ge @!p0 [sflag:s5], $0x400  }
0x51: {  	[sflag:s5] =	ssyncset.done @!p0 $0x0  }
0x52: {  	[sflag:s5] =	ssyncadd.s32 @!p0 $0xFFFFFC00;
	s5 =	simm.s32 @p3 $0x2  }
0x53: {  	_ =	swait.ge @p3 [sflag:s5], $0x200  }
0x54: {  	[sflag:s5] =	ssyncset.done @p3 $0x0  }
0x55: {  	[sflag:s5] =	ssyncadd.s32 @p3 $0xFFFFFE00  }
0x56: {  	_ =	swait.ge @p3 [sflag:s5], $0x200  }
0x57: {  	[sflag:s5] =	ssyncset.done @p3 $0x0  }
0x58: {  	[sflag:s5] =	ssyncadd.s32 @p3 $0xFFFFFE00  }
0x59: {  	[bflag:$0x0] =	sbarrier.arrive $0xFFFF  }
0x5a: {  	[spmem:s2] =	stream.indirect.scatter.add.f32 [tilespmem:s17], [sflag:$0x1], $0x1, s4, s23, $0xb8;
	[tilespmem:$0x1DA00] =	vst v63  }
0x5b: {  	_ = 	snop  }
0x5c: {  	[spmem:s3] =	stream.indirect.scatter.add.f32 [tilespmem:s24], [sflag:$0x2], $0x1, s4, s23, $0xb8;
	[tilespmem:$0x1DA00] =	vst v63  }
0x5d: {  	s7 =	simm.s32 $0xC880  }
0x5e: {  	[spmem:s2] =	stream.indirect.scatter.add.f32 [tilespmem:s7], [sflag:$0x3], $0x1, s23, s23, $0xb8;
	[tilespmem:$0x1DA00] =	vst v63  }
0x5f: {  	_ = 	snop  }
0x60: {  	[spmem:s3] =	stream.indirect.scatter.add.f32 [tilespmem:s24], [sflag:$0x4], $0x1, s23, s23, $0xb8;
	[tilespmem:$0x1DA00] =	vst v63  }
0x61: {  	s8 =	simm.s32 $0xC900  }
0x62: {  	[spmem:s2] =	stream.indirect.scatter.add.f32 [tilespmem:s8], [sflag:$0x1], $0x1, s26, s23, $0xb8;
	[tilespmem:$0x1DA00] =	vst v63  }
0x63: {  	_ = 	snop  }
0x64: {  	[spmem:s3] =	stream.indirect.scatter.add.f32 [tilespmem:s24], [sflag:$0x2], $0x1, s26, s23, $0xb8;
	[tilespmem:$0x1DA00] =	vst v63  }
0x65: {  	s25 =	simm.s32 $0xC980  }
0x66: {  	[spmem:s2] =	stream.indirect.scatter.add.f32 [tilespmem:s25], [sflag:$0x3], $0x1, s29, s23, $0xb8;
	[tilespmem:$0x1DA00] =	vst v63  }
0x67: {  	_ = 	snop  }
0x68: {  	[spmem:s3] =	stream.indirect.scatter.add.f32 [tilespmem:s24], [sflag:$0x4], $0x1, s29, s23, $0xb8;
	[tilespmem:$0x1DA00] =	vst v63  }
0x69: {  	s6 =	simm.s32 $0xCA00  }
0x6a: {  	[spmem:s2] =	stream.indirect.scatter.add.f32 [tilespmem:s6], [sflag:$0x1], $0x1, s31, s23, $0xb8;
	[tilespmem:$0x1DA00] =	vst v63  }
0x6b: {  	_ = 	snop  }
0x6c: {  	[spmem:s3] =	stream.indirect.scatter.add.f32 [tilespmem:s24], [sflag:$0x2], $0x1, s31, s23, $0xb8;
	[tilespmem:$0x1DA00] =	vst v63  }
0x6d: {  	s7 =	simm.s32 $0xCA80  }
0x6e: {  	[spmem:s2] =	stream.indirect.scatter.add.f32 [tilespmem:s7], [sflag:$0x3], $0x1, s1, s23, $0xb8;
	[tilespmem:$0x1DA00] =	vst v63  }
0x6f: {  	_ = 	snop  }
0x70: {  	[spmem:s3] =	stream.indirect.scatter.add.f32 [tilespmem:s24], [sflag:$0x4], $0x1, s1, s23, $0xb8;
	[tilespmem:$0x1DA00] =	vst v63  }
0x71: {  	s8 =	simm.s32 $0xCB00  }
0x72: {  	[spmem:s2] =	stream.indirect.scatter.add.f32 [tilespmem:s8], [sflag:$0x1], $0x1, s28, s23, $0xb8;
	[tilespmem:$0x1DA00] =	vst v63  }
0x73: {  	_ = 	snop  }
0x74: {  	[spmem:s3] =	stream.indirect.scatter.add.f32 [tilespmem:s24], [sflag:$0x2], $0x1, s28, s23, $0xb8;
	[tilespmem:$0x1DA00] =	vst v63  }
0x75: {  	s5 =	simm.s32 $0x2;
	s25 =	simm.s32 $0xCB80  }
0x76: {  	[spmem:s2] =	stream.indirect.scatter.add.f32 [tilespmem:s25], [sflag:$0x3], $0x1, s0, s23, $0xb8;
	[tilespmem:$0x1DA00] =	vst v63  }
0x77: {  	s5 =	simm.s32 @!p3 $0x0  }
0x78: {  	[spmem:s3] =	stream.indirect.scatter.add.f32 [tilespmem:s24], [sflag:$0x4], $0x1, s0, s23, $0xb8;
	[tilespmem:$0x1DA00] =	vst v63  }
0x79: {  	s6 =	sadd.s32 s5, s13;
	s5 =	simm.s32 $0x400;
	s25 =	simm.s32 $0xCC00  }
0x7a: {  	[spmem:s2] =	stream.indirect.scatter.add.f32 [tilespmem:s25], [sflag:$0x1], $0x1, s5, s23, $0xb8;
	[tilespmem:$0x1DA00] =	vst v63  }
0x7b: {  	_ = 	snop  }
0x7c: {  	[spmem:s3] =	stream.indirect.scatter.add.f32 [tilespmem:s24], [sflag:$0x2], $0x1, s5, s23, $0xb8;
	[tilespmem:$0x1DA00] =	vst v63  }
0x7d: {  	s7 =	simm.s32 $0xCC80;
	s8 =	simm.s32 $0x480  }
0x7e: {  	[spmem:s2] =	stream.indirect.scatter.add.f32 [tilespmem:s7], [sflag:$0x3], $0x1, s8, s23, $0xb8;
	[tilespmem:$0x1DA00] =	vst v63  }
0x7f: {  	_ = 	snop  }
0x80: {  	[spmem:s3] =	stream.indirect.scatter.add.f32 [tilespmem:s24], [sflag:$0x4], $0x1, s8, s23, $0xb8;
	[tilespmem:$0x1DA00] =	vst v63  }
0x81: {  	_ =	swait.ge [sflag:s22], $0x80  }
0x82: {  	[sflag:s22] =	ssyncset.done $0x0  }
0x83: {  	[sflag:s22] =	ssyncadd.s32 $0xFFFFFF80  }
0x84: {  	_ =	swait.ge [sflag:s19], $0x80  }
0x85: {  	[sflag:s19] =	ssyncset.done $0x0  }
0x86: {  	p3 =	seq.s32 s6, $0x1;
	[sflag:s19] =	ssyncadd.s32 $0xFFFFFF80  }
.Ltmp1:
0x87: {  	_ =	swait.ge [sflag:s21], $0x80;
	(pc) =	sbr.rel @p3 .LBB2_5-.Ltmp1, $4  }
0x88: {  	[sflag:s21] =	ssyncset.done $0x0  }
0x89: {  	[sflag:s21] =	ssyncadd.s32 $0xFFFFFF80  }
0x8a: {  	_ =	swait.ge [sflag:s20], $0x80  }
0x8b: {  	s6 =	sadd.s32 $0xFFFFFFFF, s6;
	[sflag:s20] =	ssyncset.done $0x0  }
.LBB2_4:
0x8c: {  	[sflag:s20] =	ssyncadd.s32 $0xFFFFFF80;
	s25 =	sadd.s32 $0x100, s25;
	s5 =	sadd.s32 $0x100, s5  }
0x8d: {  	[spmem:s2] =	stream.indirect.scatter.add.f32 [tilespmem:s25], [sflag:$0x1], $0x1, s5, s23, $0xb8;
	[tilespmem:$0x1DA00] =	vst v63  }
0x8e: {  	p3 =	seq.s32 s6, $0x1;
	s6 =	sadd.s32 $0xFFFFFFFF, s6  }
0x8f: {  	[spmem:s3] =	stream.indirect.scatter.add.f32 [tilespmem:s24], [sflag:$0x2], $0x1, s5, s23, $0xb8;
	[tilespmem:$0x1DA00] =	vst v63  }
0x90: {  	s7 =	sadd.s32 $0x80, s25;
	s8 =	sadd.s32 $0x80, s5  }
0x91: {  	[spmem:s2] =	stream.indirect.scatter.add.f32 [tilespmem:s7], [sflag:$0x3], $0x1, s8, s23, $0xb8;
	[tilespmem:$0x1DA00] =	vst v63  }
0x92: {  	_ = 	snop  }
0x93: {  	[spmem:s3] =	stream.indirect.scatter.add.f32 [tilespmem:s24], [sflag:$0x4], $0x1, s8, s23, $0xb8;
	[tilespmem:$0x1DA00] =	vst v63  }
0x94: {  	_ =	swait.ge [sflag:s22], $0x80  }
0x95: {  	[sflag:s22] =	ssyncset.done $0x0  }
0x96: {  	[sflag:s22] =	ssyncadd.s32 $0xFFFFFF80  }
0x97: {  	_ =	swait.ge [sflag:s19], $0x80  }
0x98: {  	[sflag:s19] =	ssyncset.done $0x0  }
0x99: {  	[sflag:s19] =	ssyncadd.s32 $0xFFFFFF80  }
.Ltmp2:
0x9a: {  	_ =	swait.ge [sflag:s21], $0x80;
	(pc) =	sbr.rel @!p3 .LBB2_4-.Ltmp2, $4  }
0x9b: {  	[sflag:s21] =	ssyncset.done $0x0  }
0x9c: {  	[sflag:s21] =	ssyncadd.s32 $0xFFFFFF80  }
0x9d: {  	_ =	swait.ge [sflag:s20], $0x80  }
0x9e: {  	[sflag:s20] =	ssyncset.done $0x0  }
.LBB2_5:
0x9f: {  	[sflag:s20] =	ssyncadd.s32 $0xFFFFFF80  }
0xa0: {  	_ =	swait.ge [sflag:s22], $0x80  }
0xa1: {  	[sflag:s22] =	ssyncset.done $0x0  }
0xa2: {  	[sflag:s22] =	ssyncadd.s32 $0xFFFFFF80  }
0xa3: {  	_ =	swait.ge [sflag:s19], $0x80  }
0xa4: {  	[sflag:s19] =	ssyncset.done $0x0  }
0xa5: {  	[sflag:s19] =	ssyncadd.s32 $0xFFFFFF80  }
0xa6: {  	_ =	swait.ge [sflag:s21], $0x80  }
0xa7: {  	[sflag:s21] =	ssyncset.done $0x0  }
0xa8: {  	[sflag:s21] =	ssyncadd.s32 $0xFFFFFF80  }
0xa9: {  	_ =	swait.ge [sflag:s20], $0x80  }
0xaa: {  	[sflag:s20] =	ssyncset.done $0x0  }
0xab: {  	[sflag:s20] =	ssyncadd.s32 $0xFFFFFF80  }
0xac: {  	_ =	swait.ge [sflag:s22], $0x80  }
0xad: {  	[sflag:s22] =	ssyncset.done $0x0  }
0xae: {  	[sflag:s22] =	ssyncadd.s32 $0xFFFFFF80  }
0xaf: {  	_ =	swait.ge [sflag:s19], $0x80  }
0xb0: {  	[sflag:s19] =	ssyncset.done $0x0  }
0xb1: {  	[sflag:s19] =	ssyncadd.s32 $0xFFFFFF80  }
0xb2: {  	_ =	swait.ge [sflag:s21], $0x80  }
0xb3: {  	[sflag:s21] =	ssyncset.done $0x0  }
0xb4: {  	[sflag:s21] =	ssyncadd.s32 $0xFFFFFF80  }
0xb5: {  	_ =	swait.ge [sflag:s20], $0x80  }
0xb6: {  	[sflag:s20] =	ssyncset.done $0x0  }
0xb7: {  	[sflag:s20] =	ssyncadd.s32 $0xFFFFFF80  }
0xb8: {  	_ =	swait.ge [sflag:s22], $0x80  }
0xb9: {  	[sflag:s22] =	ssyncset.done $0x0  }
0xba: {  	[sflag:s22] =	ssyncadd.s32 $0xFFFFFF80  }
0xbb: {  	_ =	swait.ge [sflag:s19], $0x80  }
0xbc: {  	[sflag:s19] =	ssyncset.done $0x0  }
0xbd: {  	[sflag:s19] =	ssyncadd.s32 $0xFFFFFF80  }
0xbe: {  	_ =	swait.ge [sflag:s21], $0x80  }
0xbf: {  	[sflag:s21] =	ssyncset.done $0x0  }
0xc0: {  	[sflag:s21] =	ssyncadd.s32 $0xFFFFFF80  }
0xc1: {  	_ =	swait.ge [sflag:s20], $0x80  }
0xc2: {  	[sflag:s20] =	ssyncset.done $0x0  }
0xc3: {  	[sflag:s20] =	ssyncadd.s32 $0xFFFFFF80  }
0xc4: {  	_ =	swait.ge [sflag:s22], $0x80  }
0xc5: {  	[sflag:s22] =	ssyncset.done $0x0  }
0xc6: {  	[sflag:s22] =	ssyncadd.s32 $0xFFFFFF80  }
0xc7: {  	_ =	swait.ge [sflag:s19], $0x80  }
0xc8: {  	[sflag:s19] =	ssyncset.done $0x0  }
0xc9: {  	[sflag:s19] =	ssyncadd.s32 $0xFFFFFF80  }
0xca: {  	_ =	swait.ge [sflag:s21], $0x80  }
0xcb: {  	[sflag:s21] =	ssyncset.done $0x0  }
0xcc: {  	[sflag:s21] =	ssyncadd.s32 $0xFFFFFF80  }
0xcd: {  	_ =	swait.ge [sflag:s20], $0x80  }
0xce: {  	s5 =	stileid.u32;
	[sflag:s20] =	ssyncset.done $0x0  }
0xcf: {  	s5 =	sshll.u32 s5, $0x6;
	[sflag:s20] =	ssyncadd.s32 $0xFFFFFF80  }
0xd0: {  	s25 =	sshrl.u32 s11, $0x3;
	s6 =	sor.u32 $0x1C01, s5;
	[bflag:$0x0] =	sbarrier.arrive $0xFFFF  }
0xd1: {  	[hbm:s14], [sflag:s6] =	dma.local [spmem:s25], $0x310  }
0xd2: {  	s30 =	sadd.s32 $0x1, s30;
	s5 =	sor.u32 $0x1C02, s5;
	s25 =	sshrl.u32 s12, $0x3  }
0xd3: {  	[hbm:s15], [sflag:s5] =	dma.local [spmem:s25], $0x310  }
0xd4: {  	p3 =	seq.s32 s30, s16;
	_ =	swait.ge [sflag:s22], $0x310  }
.Ltmp3:
0xd5: {  	[sflag:s22] =	ssyncset.done $0x0;
	(pc) =	sbr.rel @!p3 .LBB2_1-.Ltmp3, $4  }
0xd6: {  	[sflag:s22] =	ssyncadd.s32 $0xFFFFFCF0  }
0xd7: {  	_ =	swait.ge [sflag:s21], $0x310  }
0xd8: {  	[sflag:s21] =	ssyncset.done $0x0  }
0xd9: {  	[sflag:s21] =	ssyncadd.s32 $0xFFFFFCF0  }
0xda: {  	_ =	sfence.sel $0x180000  }
0xdb: {  	[bflag:$0x0] =	sbarrier.arrive $0xFFFF  }
0xdc: {  	_ =	strace $0x90000047  }
0xdd: {  	s0 =	stileid.u32;
	[bflag:$0x2] =	sbarrier.arrive $0xFFFF  }
0xde: {  	p0 =	sne.s32 s0, $0x0;
	s0 =	rddreg [dreg:$0x5]  }
0xdf: {  	s0 =	sadd.s32 @!p0 $0x100000, s0  }
0xe0: {  	[sflag:s0] =	ssyncadd.tile.s32 @!p0 $0x1;
	_ =	shalt  }
.Lfunc_end2:
_tile_overlayer_lowered:
.L_overlay_start_2:
0xe1: {  	(tag) =	ssettag $0x2  }
0xe2: {  	s0 =	rddreg [dreg:$0x0];
	s2 =	stileid.u32  }
0xe3: {  	s1 =	rddreg [dreg:$0x1];
	p0 =	sne.s32 s2, $0x0  }
0xe4: {  	s3 =	rddreg [dreg:$0x2];
	[bflag:$0x3] =	sbarrier.arrive $0xFFFF;
	s2 =	simm.s32 @!p0 $0x1C05  }
0xe5: {  	[timem:s3], [sflag:s2] =	dma.local @!p0 [hbm:s0], s1  }
0xe6: {  	s0 =	simm.s32 @!p0 $0x5  }
0xe7: {  	_ =	swait.ge @!p0 [sflag:s0], s1  }
0xe8: {  	s1 =	ssub.s32 @!p0 $0x0, s1;
	[sflag:s0] =	ssyncset.done @!p0 $0x0  }
0xe9: {  	[sflag:s0] =	ssyncadd.s32 @!p0 s1  }
0xea: {  	[bflag:$0x3] =	sbarrier.arrive $0xFFFF  }
0xeb: {  	_ =	shalt  }

</sc_bundles>
